<compile_context>
chip_gen: v7x
topology: tpu7x:2x2x1
jax: 0.10.2.dev20260603
libtpu: 0.0.44.dev20260713+nightly
codegen_flags: <defaults>
</compile_context>

<pallas_src>
import jax
import jax.numpy as jnp
from jax import lax
from jax.experimental import pallas as pl
from jax.experimental.pallas import tpu as pltpu
from jax.experimental.pallas import tpu_sc as plsc

_N = 10000
_E = 320000
_D = 128

_NC = 2
_NS = 16
_NW = _NC * _NS
_EP = _E // _NW
_CH = 80
_EPP = 10000
_NCH = _EPP // _CH
_NP = 10240
_RP = _NP // _NS
_PAD_DST = 10100


def _edge_chunks(edge_index):
  src = edge_index[0].reshape(_NW, _EP)
  dst = edge_index[1].reshape(_NW, _EP)
  pad = _EPP - _EP
  src = jnp.pad(src, ((0, 0), (0, pad)))
  dst = jnp.pad(dst, ((0, 0), (0, pad)), constant_values=_PAD_DST)
  return jnp.stack([src.reshape(_NW, _NCH, _CH),
                    dst.reshape(_NW, _NCH, _CH)],
                   axis=2).reshape(_NW * _NCH, 2, _CH)


def _sc_agg_body(x_hbm, ei_hbm, z128_hbm,
                 parts_out,
                 ei0, ei1, rows0, rows1, acc_sh,
                 gsem0, gsem1, asem0, asem1):
  cid = lax.axis_index("c")
  sid = lax.axis_index("s")
  wid = sid * _NC + cid
  r0 = sid * _RP
  pltpu.sync_copy(z128_hbm.at[pl.ds(r0, _RP)], acc_sh.at[pl.ds(r0, _RP)])
  plsc.subcore_barrier()
  cbase = wid * _NCH

  ei = (ei0, ei1)
  rows = (rows0, rows1)
  gsem = (gsem0, gsem1)
  asem = (asem0, asem1)

  pltpu.sync_copy(ei_hbm.at[cbase], ei[0])
  pltpu.async_copy(x_hbm.at[ei[0].at[0]], rows[0], gsem[0])

  @pl.loop(0, _NCH + 1, step=2)
  def grp(g):
    for b in (0, 1):
      c = g + b
      o = 1 - b

      @pl.when(c < _NCH)
      def _():
        pltpu.make_async_copy(x_hbm.at[ei[b].at[0]], rows[b], gsem[b]).wait()

        @pl.when(c > 0)
        def _():
          pltpu.make_async_copy(rows[o], acc_sh.at[ei[o].at[1]], asem[o]).wait()

        pltpu.async_copy(rows[b], acc_sh.at[ei[b].at[1]], asem[b], add=True)

        @pl.when(c + 1 < _NCH)
        def _():
          pltpu.sync_copy(ei_hbm.at[cbase + c + 1], ei[o])
          pltpu.async_copy(x_hbm.at[ei[o].at[0]], rows[o], gsem[o])

  bl = (_NCH - 1) % 2
  pltpu.make_async_copy(rows[bl], acc_sh.at[ei[bl].at[1]], asem[bl]).wait()
  plsc.subcore_barrier()
  pltpu.sync_copy(acc_sh.at[pl.ds(r0, _RP)], parts_out.at[cid, pl.ds(r0, _RP)])


def _sc_cnt_body(ei_hbm, z128_hbm, ones_hbm,
                 cnt_out,
                 ei0, ei1, ones_v, acc_sh, sem_a0, sem_a1):
  cid = lax.axis_index("c")
  sid = lax.axis_index("s")
  wid = sid * _NC + cid
  r0 = sid * _RP
  pltpu.sync_copy(z128_hbm.at[pl.ds(r0, _RP)], acc_sh.at[pl.ds(r0, _RP)])
  pltpu.sync_copy(ones_hbm, ones_v)
  plsc.subcore_barrier()
  cbase = wid * _NCH
  ei = (ei0, ei1)
  asem = (sem_a0, sem_a1)
  pltpu.sync_copy(ei_hbm.at[cbase], ei[0])

  @pl.loop(0, _NCH + 1, step=2)
  def grp(g):
    for b in (0, 1):
      c = g + b
      o = 1 - b

      @pl.when(c < _NCH)
      def _():
        @pl.when(c > 0)
        def _():
          pltpu.make_async_copy(ones_v, acc_sh.at[ei[o].at[1]], asem[o]).wait()

        pltpu.async_copy(ones_v, acc_sh.at[ei[b].at[1]], asem[b], add=True)

        @pl.when(c + 1 < _NCH)
        def _():
          pltpu.sync_copy(ei_hbm.at[cbase + c + 1], ei[o])

  bl = (_NCH - 1) % 2
  pltpu.make_async_copy(ones_v, acc_sh.at[ei[bl].at[1]], asem[bl]).wait()
  plsc.subcore_barrier()
  pltpu.sync_copy(acc_sh.at[pl.ds(r0, _RP)], cnt_out.at[cid, pl.ds(r0, _RP)])


def _make_sc_calls():
  mesh = plsc.VectorSubcoreMesh(core_axis_name="c", subcore_axis_name="s",
                                num_cores=_NC, num_subcores=_NS)
  agg = pl.kernel(
      _sc_agg_body,
      out_type=jax.ShapeDtypeStruct((_NC, _NP, _D), jnp.float32),
      mesh=mesh,
      scratch_types=[
          pltpu.VMEM((2, _CH), jnp.int32),
          pltpu.VMEM((2, _CH), jnp.int32),
          pltpu.VMEM((_CH, _D), jnp.float32),
          pltpu.VMEM((_CH, _D), jnp.float32),
          pltpu.VMEM_SHARED((_NP, _D), jnp.float32),
          pltpu.SemaphoreType.DMA,
          pltpu.SemaphoreType.DMA,
          pltpu.SemaphoreType.DMA,
          pltpu.SemaphoreType.DMA,
      ],
  )
  cnt = pl.kernel(
      _sc_cnt_body,
      out_type=jax.ShapeDtypeStruct((_NC, _NP, _D), jnp.float32),
      mesh=mesh,
      scratch_types=[
          pltpu.VMEM((2, _CH), jnp.int32),
          pltpu.VMEM((2, _CH), jnp.int32),
          pltpu.VMEM((_CH, _D), jnp.float32),
          pltpu.VMEM_SHARED((_NP, _D), jnp.float32),
          pltpu.SemaphoreType.DMA,
          pltpu.SemaphoreType.DMA,
      ],
  )
  return agg, cnt


def _tc_layer1_body(parts_ref, cnt_ref, x_ref, wlt_ref, b_ref, wrt_ref, o_ref):
  s = parts_ref[0] + parts_ref[1]
  cnt = cnt_ref[0, :, 0:1] + cnt_ref[1, :, 0:1]
  agg = s / jnp.maximum(cnt, 1.0)
  h = (jnp.dot(agg, wlt_ref[...], preferred_element_type=jnp.float32)
       + b_ref[...]
       + jnp.dot(x_ref[...], wrt_ref[...], preferred_element_type=jnp.float32))
  o_ref[...] = jnp.maximum(h, 0.0)


def _tc_layer2_body(parts_ref, cnt_ref, h_ref, wlt_ref, b_ref, wrt_ref,
                    wlint_ref, blin_ref, o_ref):
  s = parts_ref[0] + parts_ref[1]
  cnt = cnt_ref[0, :, 0:1] + cnt_ref[1, :, 0:1]
  agg = s / jnp.maximum(cnt, 1.0)
  t = (jnp.dot(agg, wlt_ref[...], preferred_element_type=jnp.float32)
       + b_ref[...]
       + jnp.dot(h_ref[...], wrt_ref[...], preferred_element_type=jnp.float32))
  t = jnp.maximum(t, 0.0)
  o_ref[...] = (jnp.dot(t, wlint_ref[...], preferred_element_type=jnp.float32)
                + blin_ref[...])


_R = 400


def _tc_calls():
  grid = (_N // _R,)
  parts_spec = pl.BlockSpec((_NC, _R, _D), lambda i: (0, i, 0))
  row_spec = pl.BlockSpec((_R, _D), lambda i: (i, 0))
  w_spec = pl.BlockSpec((_D, _D), lambda i: (0, 0))
  b_spec = pl.BlockSpec((1, _D), lambda i: (0, 0))
  layer1 = pl.pallas_call(
      _tc_layer1_body,
      grid=grid,
      in_specs=[parts_spec, parts_spec, row_spec, w_spec, b_spec, w_spec],
      out_specs=row_spec,
      out_shape=jax.ShapeDtypeStruct((_N, _D), jnp.float32),
  )
  layer2 = pl.pallas_call(
      _tc_layer2_body,
      grid=grid,
      in_specs=[parts_spec, parts_spec, row_spec, w_spec, b_spec, w_spec,
                w_spec, b_spec],
      out_specs=row_spec,
      out_shape=jax.ShapeDtypeStruct((_N, _D), jnp.float32),
  )
  return layer1, layer2


@jax.jit
def kernel(x, edge_index, W1l, b1l, W1r, W2l, b2l, W2r, Wlin, blin):
  ei = _edge_chunks(edge_index)
  z128 = jnp.zeros((_NP, _D), jnp.float32)
  ones = jnp.ones((_CH, _D), jnp.float32)

  sc_agg, sc_cnt = _make_sc_calls()
  tc1, tc2 = _tc_calls()

  cnt = sc_cnt(ei, z128, ones)
  parts1 = sc_agg(x, ei, z128)
  h = tc1(parts1, cnt, x, W1l.T, b1l.reshape(1, _D), W1r.T)
  parts2 = sc_agg(h, ei, z128)
  out = tc2(parts2, cnt, h, W2l.T, b2l.reshape(1, _D), W2r.T,
            Wlin.T, blin.reshape(1, _D))
  return out

# --- scband reference (transcript-rebuilt; emitter-appended) ---
"""Pipeline reference for scband-encoder-gnn-v-weighted-46815143526427 (READ-ONLY COPY).

The authoritative reference and input builder live on the scoring server;
editing this copy changes nothing except your own understanding.
"""

import jax, jax.numpy as jnp
import numpy as np

N = 10000
E = 320000
D = 128
H = 128
O = 128


def setup_inputs(seed: int = 0) -> dict:
    key = jax.random.key(seed)
    ks = jax.random.split(key, 12)
    x = jax.random.normal(ks[0], (N, D), dtype=jnp.float32)
    edge_index = jax.random.randint(ks[1], (2, E), 0, N)
    s1 = 1.0 / np.sqrt(D)
    s2 = 1.0 / np.sqrt(H)
    W1l = jax.random.normal(ks[2], (H, D), dtype=jnp.float32) * s1
    b1l = jnp.zeros((H,), dtype=jnp.float32)
    W1r = jax.random.normal(ks[3], (H, D), dtype=jnp.float32) * s1
    W2l = jax.random.normal(ks[4], (H, H), dtype=jnp.float32) * s2
    b2l = jnp.zeros((H,), dtype=jnp.float32)
    W2r = jax.random.normal(ks[5], (H, H), dtype=jnp.float32) * s2
    Wlin = jax.random.normal(ks[6], (O, H), dtype=jnp.float32) * s2
    blin = jnp.zeros((O,), dtype=jnp.float32)
    return {"x": x, "edge_index": edge_index, "W1l": W1l, "b1l": b1l, "W1r": W1r,
            "W2l": W2l, "b2l": b2l, "W2r": W2r, "Wlin": Wlin, "blin": blin}


def _sage_conv(x, edge_index, Wl, bl, Wr):
    # PyG SAGEConv with mean aggregation:
    # out_i = Wl @ mean_{j in N(i)} x_j + bl + Wr @ x_i
    src = edge_index[0]
    dst = edge_index[1]
    msg = jnp.take(x, src, axis=0)                      # gather over source nodes
    agg = jax.ops.segment_sum(msg, dst, num_segments=N) # scatter-add at dst
    cnt = jax.ops.segment_sum(jnp.ones((msg.shape[0],), dtype=x.dtype), dst, num_segments=N)
    agg = agg / jnp.clip(cnt, 1.0, None)[:, None]       # mean aggregation
    return agg @ Wl.T + bl + x @ Wr.T


def reference(x, edge_index, W1l, b1l, W1r, W2l, b2l, W2r, Wlin, blin):
    h = jax.nn.relu(_sage_conv(x, edge_index, W1l, b1l, W1r))
    h = jax.nn.relu(_sage_conv(h, edge_index, W2l, b2l, W2r))
    return h @ Wlin.T + blin

if __name__ == "__main__":
    import jax
    _d = setup_inputs()
    print(jax.jit(kernel)(*tuple(_d.values())))

</pallas_src>

<mosaic_0001>
#map = affine_map<(d0, d1) -> (0, 0, 0)>
#map1 = affine_map<(d0, d1) -> (0, 0)>
module attributes {stable_mosaic.version = 14 : i64} {
  func.func @_sc_cnt_body(%arg0: i32, %arg1: i32, %arg2: memref<4000x2x80xi32, #tpu.memory_space<hbm>>, %arg3: memref<10240x128xf32, #tpu.memory_space<hbm>>, %arg4: memref<80x128xf32, #tpu.memory_space<hbm>>, %arg5: memref<2x10240x128xf32, #tpu.memory_space<hbm>>, %arg6: memref<2x80xi32, #tpu.memory_space<vmem>>, %arg7: memref<2x80xi32, #tpu.memory_space<vmem>>, %arg8: memref<80x128xf32, #tpu.memory_space<vmem>>, %arg9: memref<10240x128xf32, #tpu.memory_space<vmem_shared>>, %arg10: memref<!tpu.dma_semaphore, #tpu.memory_space<semaphore_mem>>, %arg11: memref<!tpu.dma_semaphore, #tpu.memory_space<semaphore_mem>>) attributes {dimension_semantics = [#tpu.dimension_semantics<core_parallel>, #tpu.dimension_semantics<subcore_parallel>], iteration_bounds = array<i64: 2, 16>, scalar_prefetch = 0 : i64, scratch_operands = 6 : i64, tpu.core_type = #tpu.core_type<sc_vector_subcore>, window_params = [{transform_indices = #map}, {transform_indices = #map1}, {transform_indices = #map1}, {transform_indices = #map}]} {
    %mul3A = arith.constant 2 : i32
    %mul3A_0 = arith.muli %arg1, %mul3A : i32
    %add3A = arith.addi %mul3A_0, %arg0 : i32
    %mul3A_1 = arith.constant 640 : i32
    %mul3A_2 = arith.muli %arg1, %mul3A_1 : i32
    "tpu.region"() ({
      %run_scoped3A = tpu.sem_alloc : memref<!tpu.dma_semaphore, #tpu.memory_space<semaphore_mem>>
      %dma_start3A = arith.constant 0 : i32
      %dma_start3A_16 = tpu.memref_slice %arg9[%mul3A_2, %dma_start3A] : memref<10240x128xf32, #tpu.memory_space<vmem_shared>> -> memref<640x128xf32, #tpu.memory_space<vmem_shared>>
      %dma_start3A_17 = arith.constant 0 : i32
      %dma_start3A_18 = tpu.memref_slice %arg3[%mul3A_2, %dma_start3A_17] : memref<10240x128xf32, #tpu.memory_space<hbm>> -> memref<640x128xf32, #tpu.memory_space<hbm>>
      tpu.enqueue_dma source(%dma_start3A_18 : memref<640x128xf32, #tpu.memory_space<hbm>>) target(%dma_start3A_16 : memref<640x128xf32, #tpu.memory_space<vmem_shared>>) target_semaphore(%run_scoped3A : memref<!tpu.dma_semaphore, #tpu.memory_space<semaphore_mem>>)
      %dma_wait3A_19 = arith.constant 0 : i32
      %dma_wait3A_20 = tpu.memref_slice %arg9[%mul3A_2, %dma_wait3A_19] : memref<10240x128xf32, #tpu.memory_space<vmem_shared>> -> memref<640x128xf32, #tpu.memory_space<vmem_shared>>
      %dma_wait3A_21 = arith.constant 0 : i32
      %dma_wait3A_22 = tpu.memref_slice %arg3[%mul3A_2, %dma_wait3A_21] : memref<10240x128xf32, #tpu.memory_space<hbm>> -> memref<640x128xf32, #tpu.memory_space<hbm>>
      tpu.wait_dma2 semaphore(%run_scoped3A : memref<!tpu.dma_semaphore, #tpu.memory_space<semaphore_mem>>) src(%dma_wait3A_22 : memref<640x128xf32, #tpu.memory_space<hbm>>) dst(%dma_wait3A_20 : memref<640x128xf32, #tpu.memory_space<vmem_shared>>)
      tpu.yield
    }) : () -> ()
    "tpu.region"() ({
      %run_scoped3A = tpu.sem_alloc : memref<!tpu.dma_semaphore, #tpu.memory_space<semaphore_mem>>
      tpu.enqueue_dma source(%arg4 : memref<80x128xf32, #tpu.memory_space<hbm>>) target(%arg8 : memref<80x128xf32, #tpu.memory_space<vmem>>) target_semaphore(%run_scoped3A : memref<!tpu.dma_semaphore, #tpu.memory_space<semaphore_mem>>)
      tpu.wait_dma2 semaphore(%run_scoped3A : memref<!tpu.dma_semaphore, #tpu.memory_space<semaphore_mem>>) src(%arg4 : memref<80x128xf32, #tpu.memory_space<hbm>>) dst(%arg8 : memref<80x128xf32, #tpu.memory_space<vmem>>)
      tpu.yield
    }) : () -> ()
    %barrier3A = arith.constant 0 : index
    tpu.barrier barrier_id(%barrier3A)
    %mul3A_3 = arith.constant 125 : i32
    %mul3A_4 = arith.muli %add3A, %mul3A_3 : i32
    "tpu.region"() ({
      %run_scoped3A = tpu.sem_alloc : memref<!tpu.dma_semaphore, #tpu.memory_space<semaphore_mem>>
      %dma_start3A = arith.constant 0 : i32
      %dma_start3A_16 = arith.constant 0 : i32
      %dma_start3A_17 = tpu.memref_slice %arg2[%mul3A_4, %dma_start3A, %dma_start3A_16] : memref<4000x2x80xi32, #tpu.memory_space<hbm>> -> memref<1x2x80xi32, #tpu.memory_space<hbm>>
      %dma_start3A_18 = tpu.memref_squeeze %dma_start3A_17 : memref<1x2x80xi32, #tpu.memory_space<hbm>> -> memref<2x80xi32, #tpu.memory_space<hbm>>
      %dma_start3A_19 = arith.constant 0 : i32
      %dma_start3A_20 = arith.constant 0 : i32
      %dma_start3A_21 = tpu.memref_slice %arg2[%mul3A_4, %dma_start3A_19, %dma_start3A_20] : memref<4000x2x80xi32, #tpu.memory_space<hbm>> -> memref<1x2x80xi32, #tpu.memory_space<hbm>>
      %dma_start3A_22 = tpu.memref_squeeze %dma_start3A_21 : memref<1x2x80xi32, #tpu.memory_space<hbm>> -> memref<2x80xi32, #tpu.memory_space<hbm>>
      tpu.enqueue_dma source(%dma_start3A_22 : memref<2x80xi32, #tpu.memory_space<hbm>>) target(%arg6 : memref<2x80xi32, #tpu.memory_space<vmem>>) target_semaphore(%run_scoped3A : memref<!tpu.dma_semaphore, #tpu.memory_space<semaphore_mem>>)
      %dma_wait3A_23 = arith.constant 0 : i32
      %dma_wait3A_24 = arith.constant 0 : i32
      %dma_wait3A_25 = tpu.memref_slice %arg2[%mul3A_4, %dma_wait3A_23, %dma_wait3A_24] : memref<4000x2x80xi32, #tpu.memory_space<hbm>> -> memref<1x2x80xi32, #tpu.memory_space<hbm>>
      %dma_wait3A_26 = tpu.memref_squeeze %dma_wait3A_25 : memref<1x2x80xi32, #tpu.memory_space<hbm>> -> memref<2x80xi32, #tpu.memory_space<hbm>>
      %dma_wait3A_27 = arith.constant 0 : i32
      %dma_wait3A_28 = arith.constant 0 : i32
      %dma_wait3A_29 = tpu.memref_slice %arg2[%mul3A_4, %dma_wait3A_27, %dma_wait3A_28] : memref<4000x2x80xi32, #tpu.memory_space<hbm>> -> memref<1x2x80xi32, #tpu.memory_space<hbm>>
      %dma_wait3A_30 = tpu.memref_squeeze %dma_wait3A_29 : memref<1x2x80xi32, #tpu.memory_space<hbm>> -> memref<2x80xi32, #tpu.memory_space<hbm>>
      tpu.wait_dma2 semaphore(%run_scoped3A : memref<!tpu.dma_semaphore, #tpu.memory_space<semaphore_mem>>) src(%dma_wait3A_30 : memref<2x80xi32, #tpu.memory_space<hbm>>) dst(%arg6 : memref<2x80xi32, #tpu.memory_space<vmem>>)
      tpu.yield
    }) : () -> ()
    %scan3A = arith.constant 0 : i32
    %scan3A_5 = arith.constant 63 : i32
    %scan3A_6 = arith.addi %scan3A, %scan3A_5 : i32
    %scan3A_7 = arith.constant 1 : i32
    scf.for %scan3A_16 = %scan3A to %scan3A_6 step %scan3A_7  : i32 {
      %mul3A_17 = arith.constant 2 : i32
      %mul3A_18 = arith.muli %scan3A_16, %mul3A_17 : i32
      %add3A_19 = arith.constant 0 : i32
      %add3A_20 = arith.addi %add3A_19, %mul3A_18 : i32
      %add3A_21 = arith.constant 0 : i32
      %add3A_22 = arith.addi %add3A_20, %add3A_21 : i32
      %lt3A = arith.constant 125 : i32
      %lt3A_23 = arith.cmpi slt, %add3A_22, %lt3A : i32
      %convert_element_type3A = arith.extui %lt3A_23 : i1 to i32
      %cond3A = arith.constant 0 : i32
      %cond3A_24 = arith.cmpi ne, %convert_element_type3A, %cond3A : i32
      scf.if %cond3A_24 {
        %gt3A = arith.constant 0 : i32
        %gt3A_32 = arith.cmpi sgt, %add3A_22, %gt3A : i32
        %convert_element_type3A_33 = arith.extui %gt3A_32 : i1 to i32
        %cond3A_34 = arith.constant 0 : i32
        %cond3A_35 = arith.cmpi ne, %convert_element_type3A_33, %cond3A_34 : i32
        scf.if %cond3A_35 {
          %dma_wait3A_49 = arith.constant 1 : i32
          %dma_wait3A_50 = arith.constant 0 : i32
          %dma_wait3A_51 = tpu.memref_slice %arg7[%dma_wait3A_49, %dma_wait3A_50] : memref<2x80xi32, #tpu.memory_space<vmem>> -> memref<1x80xi32, #tpu.memory_space<vmem>>
          %dma_wait3A_52 = tpu.memref_squeeze %dma_wait3A_51 : memref<1x80xi32, #tpu.memory_space<vmem>> -> memref<80xi32, #tpu.memory_space<vmem>>
          %dma_wait3A_53 = arith.constant 0 : i32
          %dma_wait3A_54 = arith.constant 0 : i32
          %dma_wait3A_55 = tpu.memref_slice %arg9[%dma_wait3A_53, %dma_wait3A_54] : memref<10240x128xf32, #tpu.memory_space<vmem_shared>> -> memref<10240x128xf32, #tpu.memory_space<vmem_shared>>
          tpu.wait_indirect_dma semaphore(%arg11 : memref<!tpu.dma_semaphore, #tpu.memory_space<semaphore_mem>>) src(%arg8 : memref<80x128xf32, #tpu.memory_space<vmem>>) dst(%dma_wait3A_55 : memref<10240x128xf32, #tpu.memory_space<vmem_shared>>)
        } else {
        }
        %dma_start3A = arith.constant 1 : i32
        %dma_start3A_36 = arith.constant 0 : i32
        %dma_start3A_37 = tpu.memref_slice %arg6[%dma_start3A, %dma_start3A_36] : memref<2x80xi32, #tpu.memory_space<vmem>> -> memref<1x80xi32, #tpu.memory_space<vmem>>
        %dma_start3A_38 = tpu.memref_squeeze %dma_start3A_37 : memref<1x80xi32, #tpu.memory_space<vmem>> -> memref<80xi32, #tpu.memory_space<vmem>>
        %dma_start3A_39 = arith.constant 0 : i32
        %dma_start3A_40 = arith.constant 0 : i32
        %dma_start3A_41 = tpu.memref_slice %arg9[%dma_start3A_39, %dma_start3A_40] : memref<10240x128xf32, #tpu.memory_space<vmem_shared>> -> memref<10240x128xf32, #tpu.memory_space<vmem_shared>>
        tpu.enqueue_indirect_dma source(%arg8 : memref<80x128xf32, #tpu.memory_space<vmem>>) target(%dma_start3A_41 : memref<10240x128xf32, #tpu.memory_space<vmem_shared>>) offsets(%dma_start3A_38 : memref<80xi32, #tpu.memory_space<vmem>>) semaphore(%arg10 : memref<!tpu.dma_semaphore, #tpu.memory_space<semaphore_mem>>) {add = true}
        %add3A_42 = arith.constant 1 : i32
        %add3A_43 = arith.addi %add3A_22, %add3A_42 : i32
        %lt3A_44 = arith.constant 125 : i32
        %lt3A_45 = arith.cmpi slt, %add3A_43, %lt3A_44 : i32
        %convert_element_type3A_46 = arith.extui %lt3A_45 : i1 to i32
        %cond3A_47 = arith.constant 0 : i32
        %cond3A_48 = arith.cmpi ne, %convert_element_type3A_46, %cond3A_47 : i32
        scf.if %cond3A_48 {
          %add3A_49 = arith.addi %mul3A_4, %add3A_22 : i32
          %add3A_50 = arith.constant 1 : i32
          %add3A_51 = arith.addi %add3A_49, %add3A_50 : i32
          "tpu.region"() ({
            %run_scoped3A = tpu.sem_alloc : memref<!tpu.dma_semaphore, #tpu.memory_space<semaphore_mem>>
            %dma_start3A_52 = arith.constant 0 : i32
            %dma_start3A_53 = arith.constant 0 : i32
            %dma_start3A_54 = tpu.memref_slice %arg2[%add3A_51, %dma_start3A_52, %dma_start3A_53] : memref<4000x2x80xi32, #tpu.memory_space<hbm>> -> memref<1x2x80xi32, #tpu.memory_space<hbm>>
            %dma_start3A_55 = tpu.memref_squeeze %dma_start3A_54 : memref<1x2x80xi32, #tpu.memory_space<hbm>> -> memref<2x80xi32, #tpu.memory_space<hbm>>
            %dma_start3A_56 = arith.constant 0 : i32
            %dma_start3A_57 = arith.constant 0 : i32
            %dma_start3A_58 = tpu.memref_slice %arg2[%add3A_51, %dma_start3A_56, %dma_start3A_57] : memref<4000x2x80xi32, #tpu.memory_space<hbm>> -> memref<1x2x80xi32, #tpu.memory_space<hbm>>
            %dma_start3A_59 = tpu.memref_squeeze %dma_start3A_58 : memref<1x2x80xi32, #tpu.memory_space<hbm>> -> memref<2x80xi32, #tpu.memory_space<hbm>>
            tpu.enqueue_dma source(%dma_start3A_59 : memref<2x80xi32, #tpu.memory_space<hbm>>) target(%arg7 : memref<2x80xi32, #tpu.memory_space<vmem>>) target_semaphore(%run_scoped3A : memref<!tpu.dma_semaphore, #tpu.memory_space<semaphore_mem>>)
            %dma_wait3A_60 = arith.constant 0 : i32
            %dma_wait3A_61 = arith.constant 0 : i32
            %dma_wait3A_62 = tpu.memref_slice %arg2[%add3A_51, %dma_wait3A_60, %dma_wait3A_61] : memref<4000x2x80xi32, #tpu.memory_space<hbm>> -> memref<1x2x80xi32, #tpu.memory_space<hbm>>
            %dma_wait3A_63 = tpu.memref_squeeze %dma_wait3A_62 : memref<1x2x80xi32, #tpu.memory_space<hbm>> -> memref<2x80xi32, #tpu.memory_space<hbm>>
            %dma_wait3A_64 = arith.constant 0 : i32
            %dma_wait3A_65 = arith.constant 0 : i32
            %dma_wait3A_66 = tpu.memref_slice %arg2[%add3A_51, %dma_wait3A_64, %dma_wait3A_65] : memref<4000x2x80xi32, #tpu.memory_space<hbm>> -> memref<1x2x80xi32, #tpu.memory_space<hbm>>
            %dma_wait3A_67 = tpu.memref_squeeze %dma_wait3A_66 : memref<1x2x80xi32, #tpu.memory_space<hbm>> -> memref<2x80xi32, #tpu.memory_space<hbm>>
            tpu.wait_dma2 semaphore(%run_scoped3A : memref<!tpu.dma_semaphore, #tpu.memory_space<semaphore_mem>>) src(%dma_wait3A_67 : memref<2x80xi32, #tpu.memory_space<hbm>>) dst(%arg7 : memref<2x80xi32, #tpu.memory_space<vmem>>)
            tpu.yield
          }) : () -> ()
        } else {
        }
      } else {
      }
      %add3A_25 = arith.constant 1 : i32
      %add3A_26 = arith.addi %add3A_20, %add3A_25 : i32
      %lt3A_27 = arith.constant 125 : i32
      %lt3A_28 = arith.cmpi slt, %add3A_26, %lt3A_27 : i32
      %convert_element_type3A_29 = arith.extui %lt3A_28 : i1 to i32
      %cond3A_30 = arith.constant 0 : i32
      %cond3A_31 = arith.cmpi ne, %convert_element_type3A_29, %cond3A_30 : i32
      scf.if %cond3A_31 {
        %gt3A = arith.constant 0 : i32
        %gt3A_32 = arith.cmpi sgt, %add3A_26, %gt3A : i32
        %convert_element_type3A_33 = arith.extui %gt3A_32 : i1 to i32
        %cond3A_34 = arith.constant 0 : i32
        %cond3A_35 = arith.cmpi ne, %convert_element_type3A_33, %cond3A_34 : i32
        scf.if %cond3A_35 {
          %dma_wait3A_49 = arith.constant 1 : i32
          %dma_wait3A_50 = arith.constant 0 : i32
          %dma_wait3A_51 = tpu.memref_slice %arg6[%dma_wait3A_49, %dma_wait3A_50] : memref<2x80xi32, #tpu.memory_space<vmem>> -> memref<1x80xi32, #tpu.memory_space<vmem>>
          %dma_wait3A_52 = tpu.memref_squeeze %dma_wait3A_51 : memref<1x80xi32, #tpu.memory_space<vmem>> -> memref<80xi32, #tpu.memory_space<vmem>>
          %dma_wait3A_53 = arith.constant 0 : i32
          %dma_wait3A_54 = arith.constant 0 : i32
          %dma_wait3A_55 = tpu.memref_slice %arg9[%dma_wait3A_53, %dma_wait3A_54] : memref<10240x128xf32, #tpu.memory_space<vmem_shared>> -> memref<10240x128xf32, #tpu.memory_space<vmem_shared>>
          tpu.wait_indirect_dma semaphore(%arg10 : memref<!tpu.dma_semaphore, #tpu.memory_space<semaphore_mem>>) src(%arg8 : memref<80x128xf32, #tpu.memory_space<vmem>>) dst(%dma_wait3A_55 : memref<10240x128xf32, #tpu.memory_space<vmem_shared>>)
        } else {
        }
        %dma_start3A = arith.constant 1 : i32
        %dma_start3A_36 = arith.constant 0 : i32
        %dma_start3A_37 = tpu.memref_slice %arg7[%dma_start3A, %dma_start3A_36] : memref<2x80xi32, #tpu.memory_space<vmem>> -> memref<1x80xi32, #tpu.memory_space<vmem>>
        %dma_start3A_38 = tpu.memref_squeeze %dma_start3A_37 : memref<1x80xi32, #tpu.memory_space<vmem>> -> memref<80xi32, #tpu.memory_space<vmem>>
        %dma_start3A_39 = arith.constant 0 : i32
        %dma_start3A_40 = arith.constant 0 : i32
        %dma_start3A_41 = tpu.memref_slice %arg9[%dma_start3A_39, %dma_start3A_40] : memref<10240x128xf32, #tpu.memory_space<vmem_shared>> -> memref<10240x128xf32, #tpu.memory_space<vmem_shared>>
        tpu.enqueue_indirect_dma source(%arg8 : memref<80x128xf32, #tpu.memory_space<vmem>>) target(%dma_start3A_41 : memref<10240x128xf32, #tpu.memory_space<vmem_shared>>) offsets(%dma_start3A_38 : memref<80xi32, #tpu.memory_space<vmem>>) semaphore(%arg11 : memref<!tpu.dma_semaphore, #tpu.memory_space<semaphore_mem>>) {add = true}
        %add3A_42 = arith.constant 1 : i32
        %add3A_43 = arith.addi %add3A_26, %add3A_42 : i32
        %lt3A_44 = arith.constant 125 : i32
        %lt3A_45 = arith.cmpi slt, %add3A_43, %lt3A_44 : i32
        %convert_element_type3A_46 = arith.extui %lt3A_45 : i1 to i32
        %cond3A_47 = arith.constant 0 : i32
        %cond3A_48 = arith.cmpi ne, %convert_element_type3A_46, %cond3A_47 : i32
        scf.if %cond3A_48 {
          %add3A_49 = arith.addi %mul3A_4, %add3A_26 : i32
          %add3A_50 = arith.constant 1 : i32
          %add3A_51 = arith.addi %add3A_49, %add3A_50 : i32
          "tpu.region"() ({
            %run_scoped3A = tpu.sem_alloc : memref<!tpu.dma_semaphore, #tpu.memory_space<semaphore_mem>>
            %dma_start3A_52 = arith.constant 0 : i32
            %dma_start3A_53 = arith.constant 0 : i32
            %dma_start3A_54 = tpu.memref_slice %arg2[%add3A_51, %dma_start3A_52, %dma_start3A_53] : memref<4000x2x80xi32, #tpu.memory_space<hbm>> -> memref<1x2x80xi32, #tpu.memory_space<hbm>>
            %dma_start3A_55 = tpu.memref_squeeze %dma_start3A_54 : memref<1x2x80xi32, #tpu.memory_space<hbm>> -> memref<2x80xi32, #tpu.memory_space<hbm>>
            %dma_start3A_56 = arith.constant 0 : i32
            %dma_start3A_57 = arith.constant 0 : i32
            %dma_start3A_58 = tpu.memref_slice %arg2[%add3A_51, %dma_start3A_56, %dma_start3A_57] : memref<4000x2x80xi32, #tpu.memory_space<hbm>> -> memref<1x2x80xi32, #tpu.memory_space<hbm>>
            %dma_start3A_59 = tpu.memref_squeeze %dma_start3A_58 : memref<1x2x80xi32, #tpu.memory_space<hbm>> -> memref<2x80xi32, #tpu.memory_space<hbm>>
            tpu.enqueue_dma source(%dma_start3A_59 : memref<2x80xi32, #tpu.memory_space<hbm>>) target(%arg6 : memref<2x80xi32, #tpu.memory_space<vmem>>) target_semaphore(%run_scoped3A : memref<!tpu.dma_semaphore, #tpu.memory_space<semaphore_mem>>)
            %dma_wait3A_60 = arith.constant 0 : i32
            %dma_wait3A_61 = arith.constant 0 : i32
            %dma_wait3A_62 = tpu.memref_slice %arg2[%add3A_51, %dma_wait3A_60, %dma_wait3A_61] : memref<4000x2x80xi32, #tpu.memory_space<hbm>> -> memref<1x2x80xi32, #tpu.memory_space<hbm>>
            %dma_wait3A_63 = tpu.memref_squeeze %dma_wait3A_62 : memref<1x2x80xi32, #tpu.memory_space<hbm>> -> memref<2x80xi32, #tpu.memory_space<hbm>>
            %dma_wait3A_64 = arith.constant 0 : i32
            %dma_wait3A_65 = arith.constant 0 : i32
            %dma_wait3A_66 = tpu.memref_slice %arg2[%add3A_51, %dma_wait3A_64, %dma_wait3A_65] : memref<4000x2x80xi32, #tpu.memory_space<hbm>> -> memref<1x2x80xi32, #tpu.memory_space<hbm>>
            %dma_wait3A_67 = tpu.memref_squeeze %dma_wait3A_66 : memref<1x2x80xi32, #tpu.memory_space<hbm>> -> memref<2x80xi32, #tpu.memory_space<hbm>>
            tpu.wait_dma2 semaphore(%run_scoped3A : memref<!tpu.dma_semaphore, #tpu.memory_space<semaphore_mem>>) src(%dma_wait3A_67 : memref<2x80xi32, #tpu.memory_space<hbm>>) dst(%arg6 : memref<2x80xi32, #tpu.memory_space<vmem>>)
            tpu.yield
          }) : () -> ()
        } else {
        }
      } else {
      }
    }
    %scan3A_8 = arith.constant 63 : i32
    %dma_wait3A = arith.constant 1 : i32
    %dma_wait3A_9 = arith.constant 0 : i32
    %dma_wait3A_10 = tpu.memref_slice %arg6[%dma_wait3A, %dma_wait3A_9] : memref<2x80xi32, #tpu.memory_space<vmem>> -> memref<1x80xi32, #tpu.memory_space<vmem>>
    %dma_wait3A_11 = tpu.memref_squeeze %dma_wait3A_10 : memref<1x80xi32, #tpu.memory_space<vmem>> -> memref<80xi32, #tpu.memory_space<vmem>>
    %dma_wait3A_12 = arith.constant 0 : i32
    %dma_wait3A_13 = arith.constant 0 : i32
    %dma_wait3A_14 = tpu.memref_slice %arg9[%dma_wait3A_12, %dma_wait3A_13] : memref<10240x128xf32, #tpu.memory_space<vmem_shared>> -> memref<10240x128xf32, #tpu.memory_space<vmem_shared>>
    tpu.wait_indirect_dma semaphore(%arg10 : memref<!tpu.dma_semaphore, #tpu.memory_space<semaphore_mem>>) src(%arg8 : memref<80x128xf32, #tpu.memory_space<vmem>>) dst(%dma_wait3A_14 : memref<10240x128xf32, #tpu.memory_space<vmem_shared>>)
    %barrier3A_15 = arith.constant 0 : index
    tpu.barrier barrier_id(%barrier3A_15)
    "tpu.region"() ({
      %run_scoped3A = tpu.sem_alloc : memref<!tpu.dma_semaphore, #tpu.memory_space<semaphore_mem>>
      %dma_start3A = arith.constant 0 : i32
      %dma_start3A_16 = tpu.memref_slice %arg5[%arg0, %mul3A_2, %dma_start3A] : memref<2x10240x128xf32, #tpu.memory_space<hbm>> -> memref<1x640x128xf32, #tpu.memory_space<hbm>>
      %dma_start3A_17 = tpu.memref_squeeze %dma_start3A_16 : memref<1x640x128xf32, #tpu.memory_space<hbm>> -> memref<640x128xf32, #tpu.memory_space<hbm>>
      %dma_start3A_18 = arith.constant 0 : i32
      %dma_start3A_19 = tpu.memref_slice %arg9[%mul3A_2, %dma_start3A_18] : memref<10240x128xf32, #tpu.memory_space<vmem_shared>> -> memref<640x128xf32, #tpu.memory_space<vmem_shared>>
      tpu.enqueue_dma source(%dma_start3A_19 : memref<640x128xf32, #tpu.memory_space<vmem_shared>>) target(%dma_start3A_17 : memref<640x128xf32, #tpu.memory_space<hbm>>) target_semaphore(%run_scoped3A : memref<!tpu.dma_semaphore, #tpu.memory_space<semaphore_mem>>)
      %dma_wait3A_20 = arith.constant 0 : i32
      %dma_wait3A_21 = tpu.memref_slice %arg5[%arg0, %mul3A_2, %dma_wait3A_20] : memref<2x10240x128xf32, #tpu.memory_space<hbm>> -> memref<1x640x128xf32, #tpu.memory_space<hbm>>
      %dma_wait3A_22 = tpu.memref_squeeze %dma_wait3A_21 : memref<1x640x128xf32, #tpu.memory_space<hbm>> -> memref<640x128xf32, #tpu.memory_space<hbm>>
      %dma_wait3A_23 = arith.constant 0 : i32
      %dma_wait3A_24 = tpu.memref_slice %arg9[%mul3A_2, %dma_wait3A_23] : memref<10240x128xf32, #tpu.memory_space<vmem_shared>> -> memref<640x128xf32, #tpu.memory_space<vmem_shared>>
      tpu.wait_dma2 semaphore(%run_scoped3A : memref<!tpu.dma_semaphore, #tpu.memory_space<semaphore_mem>>) src(%dma_wait3A_24 : memref<640x128xf32, #tpu.memory_space<vmem_shared>>) dst(%dma_wait3A_22 : memref<640x128xf32, #tpu.memory_space<hbm>>)
      tpu.yield
    }) : () -> ()
    return
  }
}

#map = affine_map<(d0, d1) -> (0, 0)>
#map1 = affine_map<(d0, d1) -> (0, 0, 0)>
module attributes {stable_mosaic.version = 14 : i64} {
  func.func @_sc_agg_body(%arg0: i32, %arg1: i32, %arg2: memref<10000x128xf32, #tpu.memory_space<hbm>>, %arg3: memref<4000x2x80xi32, #tpu.memory_space<hbm>>, %arg4: memref<10240x128xf32, #tpu.memory_space<hbm>>, %arg5: memref<2x10240x128xf32, #tpu.memory_space<hbm>>, %arg6: memref<2x80xi32, #tpu.memory_space<vmem>>, %arg7: memref<2x80xi32, #tpu.memory_space<vmem>>, %arg8: memref<80x128xf32, #tpu.memory_space<vmem>>, %arg9: memref<80x128xf32, #tpu.memory_space<vmem>>, %arg10: memref<10240x128xf32, #tpu.memory_space<vmem_shared>>, %arg11: memref<!tpu.dma_semaphore, #tpu.memory_space<semaphore_mem>>, %arg12: memref<!tpu.dma_semaphore, #tpu.memory_space<semaphore_mem>>, %arg13: memref<!tpu.dma_semaphore, #tpu.memory_space<semaphore_mem>>, %arg14: memref<!tpu.dma_semaphore, #tpu.memory_space<semaphore_mem>>) attributes {dimension_semantics = [#tpu.dimension_semantics<core_parallel>, #tpu.dimension_semantics<subcore_parallel>], iteration_bounds = array<i64: 2, 16>, scalar_prefetch = 0 : i64, scratch_operands = 9 : i64, tpu.core_type = #tpu.core_type<sc_vector_subcore>, window_params = [{transform_indices = #map}, {transform_indices = #map1}, {transform_indices = #map}, {transform_indices = #map1}]} {
    %mul3A = arith.constant 2 : i32
    %mul3A_0 = arith.muli %arg1, %mul3A : i32
    %add3A = arith.addi %mul3A_0, %arg0 : i32
    %mul3A_1 = arith.constant 640 : i32
    %mul3A_2 = arith.muli %arg1, %mul3A_1 : i32
    "tpu.region"() ({
      %run_scoped3A = tpu.sem_alloc : memref<!tpu.dma_semaphore, #tpu.memory_space<semaphore_mem>>
      %dma_start3A_22 = arith.constant 0 : i32
      %dma_start3A_23 = tpu.memref_slice %arg10[%mul3A_2, %dma_start3A_22] : memref<10240x128xf32, #tpu.memory_space<vmem_shared>> -> memref<640x128xf32, #tpu.memory_space<vmem_shared>>
      %dma_start3A_24 = arith.constant 0 : i32
      %dma_start3A_25 = tpu.memref_slice %arg4[%mul3A_2, %dma_start3A_24] : memref<10240x128xf32, #tpu.memory_space<hbm>> -> memref<640x128xf32, #tpu.memory_space<hbm>>
      tpu.enqueue_dma source(%dma_start3A_25 : memref<640x128xf32, #tpu.memory_space<hbm>>) target(%dma_start3A_23 : memref<640x128xf32, #tpu.memory_space<vmem_shared>>) target_semaphore(%run_scoped3A : memref<!tpu.dma_semaphore, #tpu.memory_space<semaphore_mem>>)
      %dma_wait3A_26 = arith.constant 0 : i32
      %dma_wait3A_27 = tpu.memref_slice %arg10[%mul3A_2, %dma_wait3A_26] : memref<10240x128xf32, #tpu.memory_space<vmem_shared>> -> memref<640x128xf32, #tpu.memory_space<vmem_shared>>
      %dma_wait3A_28 = arith.constant 0 : i32
      %dma_wait3A_29 = tpu.memref_slice %arg4[%mul3A_2, %dma_wait3A_28] : memref<10240x128xf32, #tpu.memory_space<hbm>> -> memref<640x128xf32, #tpu.memory_space<hbm>>
      tpu.wait_dma2 semaphore(%run_scoped3A : memref<!tpu.dma_semaphore, #tpu.memory_space<semaphore_mem>>) src(%dma_wait3A_29 : memref<640x128xf32, #tpu.memory_space<hbm>>) dst(%dma_wait3A_27 : memref<640x128xf32, #tpu.memory_space<vmem_shared>>)
      tpu.yield
    }) : () -> ()
    %barrier3A = arith.constant 0 : index
    tpu.barrier barrier_id(%barrier3A)
    %mul3A_3 = arith.constant 125 : i32
    %mul3A_4 = arith.muli %add3A, %mul3A_3 : i32
    "tpu.region"() ({
      %run_scoped3A = tpu.sem_alloc : memref<!tpu.dma_semaphore, #tpu.memory_space<semaphore_mem>>
      %dma_start3A_22 = arith.constant 0 : i32
      %dma_start3A_23 = arith.constant 0 : i32
      %dma_start3A_24 = tpu.memref_slice %arg3[%mul3A_4, %dma_start3A_22, %dma_start3A_23] : memref<4000x2x80xi32, #tpu.memory_space<hbm>> -> memref<1x2x80xi32, #tpu.memory_space<hbm>>
      %dma_start3A_25 = tpu.memref_squeeze %dma_start3A_24 : memref<1x2x80xi32, #tpu.memory_space<hbm>> -> memref<2x80xi32, #tpu.memory_space<hbm>>
      %dma_start3A_26 = arith.constant 0 : i32
      %dma_start3A_27 = arith.constant 0 : i32
      %dma_start3A_28 = tpu.memref_slice %arg3[%mul3A_4, %dma_start3A_26, %dma_start3A_27] : memref<4000x2x80xi32, #tpu.memory_space<hbm>> -> memref<1x2x80xi32, #tpu.memory_space<hbm>>
      %dma_start3A_29 = tpu.memref_squeeze %dma_start3A_28 : memref<1x2x80xi32, #tpu.memory_space<hbm>> -> memref<2x80xi32, #tpu.memory_space<hbm>>
      tpu.enqueue_dma source(%dma_start3A_29 : memref<2x80xi32, #tpu.memory_space<hbm>>) target(%arg6 : memref<2x80xi32, #tpu.memory_space<vmem>>) target_semaphore(%run_scoped3A : memref<!tpu.dma_semaphore, #tpu.memory_space<semaphore_mem>>)
      %dma_wait3A_30 = arith.constant 0 : i32
      %dma_wait3A_31 = arith.constant 0 : i32
      %dma_wait3A_32 = tpu.memref_slice %arg3[%mul3A_4, %dma_wait3A_30, %dma_wait3A_31] : memref<4000x2x80xi32, #tpu.memory_space<hbm>> -> memref<1x2x80xi32, #tpu.memory_space<hbm>>
      %dma_wait3A_33 = tpu.memref_squeeze %dma_wait3A_32 : memref<1x2x80xi32, #tpu.memory_space<hbm>> -> memref<2x80xi32, #tpu.memory_space<hbm>>
      %dma_wait3A_34 = arith.constant 0 : i32
      %dma_wait3A_35 = arith.constant 0 : i32
      %dma_wait3A_36 = tpu.memref_slice %arg3[%mul3A_4, %dma_wait3A_34, %dma_wait3A_35] : memref<4000x2x80xi32, #tpu.memory_space<hbm>> -> memref<1x2x80xi32, #tpu.memory_space<hbm>>
      %dma_wait3A_37 = tpu.memref_squeeze %dma_wait3A_36 : memref<1x2x80xi32, #tpu.memory_space<hbm>> -> memref<2x80xi32, #tpu.memory_space<hbm>>
      tpu.wait_dma2 semaphore(%run_scoped3A : memref<!tpu.dma_semaphore, #tpu.memory_space<semaphore_mem>>) src(%dma_wait3A_37 : memref<2x80xi32, #tpu.memory_space<hbm>>) dst(%arg6 : memref<2x80xi32, #tpu.memory_space<vmem>>)
      tpu.yield
    }) : () -> ()
    %dma_start3A = arith.constant 0 : i32
    %dma_start3A_5 = arith.constant 0 : i32
    %dma_start3A_6 = tpu.memref_slice %arg6[%dma_start3A, %dma_start3A_5] : memref<2x80xi32, #tpu.memory_space<vmem>> -> memref<1x80xi32, #tpu.memory_space<vmem>>
    %dma_start3A_7 = tpu.memref_squeeze %dma_start3A_6 : memref<1x80xi32, #tpu.memory_space<vmem>> -> memref<80xi32, #tpu.memory_space<vmem>>
    %dma_start3A_8 = arith.constant 0 : i32
    %dma_start3A_9 = arith.constant 0 : i32
    %dma_start3A_10 = tpu.memref_slice %arg2[%dma_start3A_8, %dma_start3A_9] : memref<10000x128xf32, #tpu.memory_space<hbm>> -> memref<10000x128xf32, #tpu.memory_space<hbm>>
    tpu.enqueue_indirect_dma source(%dma_start3A_10 : memref<10000x128xf32, #tpu.memory_space<hbm>>) target(%arg8 : memref<80x128xf32, #tpu.memory_space<vmem>>) offsets(%dma_start3A_7 : memref<80xi32, #tpu.memory_space<vmem>>) semaphore(%arg11 : memref<!tpu.dma_semaphore, #tpu.memory_space<semaphore_mem>>)
    %scan3A = arith.constant 0 : i32
    %scan3A_11 = arith.constant 63 : i32
    %scan3A_12 = arith.addi %scan3A, %scan3A_11 : i32
    %scan3A_13 = arith.constant 1 : i32
    scf.for %scan3A_22 = %scan3A to %scan3A_12 step %scan3A_13  : i32 {
      %mul3A_23 = arith.constant 2 : i32
      %mul3A_24 = arith.muli %scan3A_22, %mul3A_23 : i32
      %add3A_25 = arith.constant 0 : i32
      %add3A_26 = arith.addi %add3A_25, %mul3A_24 : i32
      %add3A_27 = arith.constant 0 : i32
      %add3A_28 = arith.addi %add3A_26, %add3A_27 : i32
      %lt3A = arith.constant 125 : i32
      %lt3A_29 = arith.cmpi slt, %add3A_28, %lt3A : i32
      %convert_element_type3A = arith.extui %lt3A_29 : i1 to i32
      %cond3A = arith.constant 0 : i32
      %cond3A_30 = arith.cmpi ne, %convert_element_type3A, %cond3A : i32
      scf.if %cond3A_30 {
        %dma_wait3A_38 = arith.constant 0 : i32
        %dma_wait3A_39 = arith.constant 0 : i32
        %dma_wait3A_40 = tpu.memref_slice %arg6[%dma_wait3A_38, %dma_wait3A_39] : memref<2x80xi32, #tpu.memory_space<vmem>> -> memref<1x80xi32, #tpu.memory_space<vmem>>
        %dma_wait3A_41 = tpu.memref_squeeze %dma_wait3A_40 : memref<1x80xi32, #tpu.memory_space<vmem>> -> memref<80xi32, #tpu.memory_space<vmem>>
        %dma_wait3A_42 = arith.constant 0 : i32
        %dma_wait3A_43 = arith.constant 0 : i32
        %dma_wait3A_44 = tpu.memref_slice %arg2[%dma_wait3A_42, %dma_wait3A_43] : memref<10000x128xf32, #tpu.memory_space<hbm>> -> memref<10000x128xf32, #tpu.memory_space<hbm>>
        tpu.wait_indirect_dma semaphore(%arg11 : memref<!tpu.dma_semaphore, #tpu.memory_space<semaphore_mem>>) src(%dma_wait3A_44 : memref<10000x128xf32, #tpu.memory_space<hbm>>) dst(%arg8 : memref<80x128xf32, #tpu.memory_space<vmem>>)
        %gt3A = arith.constant 0 : i32
        %gt3A_45 = arith.cmpi sgt, %add3A_28, %gt3A : i32
        %convert_element_type3A_46 = arith.extui %gt3A_45 : i1 to i32
        %cond3A_47 = arith.constant 0 : i32
        %cond3A_48 = arith.cmpi ne, %convert_element_type3A_46, %cond3A_47 : i32
        scf.if %cond3A_48 {
          %dma_wait3A_63 = arith.constant 1 : i32
          %dma_wait3A_64 = arith.constant 0 : i32
          %dma_wait3A_65 = tpu.memref_slice %arg7[%dma_wait3A_63, %dma_wait3A_64] : memref<2x80xi32, #tpu.memory_space<vmem>> -> memref<1x80xi32, #tpu.memory_space<vmem>>
          %dma_wait3A_66 = tpu.memref_squeeze %dma_wait3A_65 : memref<1x80xi32, #tpu.memory_space<vmem>> -> memref<80xi32, #tpu.memory_space<vmem>>
          %dma_wait3A_67 = arith.constant 0 : i32
          %dma_wait3A_68 = arith.constant 0 : i32
          %dma_wait3A_69 = tpu.memref_slice %arg10[%dma_wait3A_67, %dma_wait3A_68] : memref<10240x128xf32, #tpu.memory_space<vmem_shared>> -> memref<10240x128xf32, #tpu.memory_space<vmem_shared>>
          tpu.wait_indirect_dma semaphore(%arg14 : memref<!tpu.dma_semaphore, #tpu.memory_space<semaphore_mem>>) src(%arg9 : memref<80x128xf32, #tpu.memory_space<vmem>>) dst(%dma_wait3A_69 : memref<10240x128xf32, #tpu.memory_space<vmem_shared>>)
        } else {
        }
        %dma_start3A_49 = arith.constant 1 : i32
        %dma_start3A_50 = arith.constant 0 : i32
        %dma_start3A_51 = tpu.memref_slice %arg6[%dma_start3A_49, %dma_start3A_50] : memref<2x80xi32, #tpu.memory_space<vmem>> -> memref<1x80xi32, #tpu.memory_space<vmem>>
        %dma_start3A_52 = tpu.memref_squeeze %dma_start3A_51 : memref<1x80xi32, #tpu.memory_space<vmem>> -> memref<80xi32, #tpu.memory_space<vmem>>
        %dma_start3A_53 = arith.constant 0 : i32
        %dma_start3A_54 = arith.constant 0 : i32
        %dma_start3A_55 = tpu.memref_slice %arg10[%dma_start3A_53, %dma_start3A_54] : memref<10240x128xf32, #tpu.memory_space<vmem_shared>> -> memref<10240x128xf32, #tpu.memory_space<vmem_shared>>
        tpu.enqueue_indirect_dma source(%arg8 : memref<80x128xf32, #tpu.memory_space<vmem>>) target(%dma_start3A_55 : memref<10240x128xf32, #tpu.memory_space<vmem_shared>>) offsets(%dma_start3A_52 : memref<80xi32, #tpu.memory_space<vmem>>) semaphore(%arg13 : memref<!tpu.dma_semaphore, #tpu.memory_space<semaphore_mem>>) {add = true}
        %add3A_56 = arith.constant 1 : i32
        %add3A_57 = arith.addi %add3A_28, %add3A_56 : i32
        %lt3A_58 = arith.constant 125 : i32
        %lt3A_59 = arith.cmpi slt, %add3A_57, %lt3A_58 : i32
        %convert_element_type3A_60 = arith.extui %lt3A_59 : i1 to i32
        %cond3A_61 = arith.constant 0 : i32
        %cond3A_62 = arith.cmpi ne, %convert_element_type3A_60, %cond3A_61 : i32
        scf.if %cond3A_62 {
          %add3A_63 = arith.addi %mul3A_4, %add3A_28 : i32
          %add3A_64 = arith.constant 1 : i32
          %add3A_65 = arith.addi %add3A_63, %add3A_64 : i32
          "tpu.region"() ({
            %run_scoped3A = tpu.sem_alloc : memref<!tpu.dma_semaphore, #tpu.memory_space<semaphore_mem>>
            %dma_start3A_73 = arith.constant 0 : i32
            %dma_start3A_74 = arith.constant 0 : i32
            %dma_start3A_75 = tpu.memref_slice %arg3[%add3A_65, %dma_start3A_73, %dma_start3A_74] : memref<4000x2x80xi32, #tpu.memory_space<hbm>> -> memref<1x2x80xi32, #tpu.memory_space<hbm>>
            %dma_start3A_76 = tpu.memref_squeeze %dma_start3A_75 : memref<1x2x80xi32, #tpu.memory_space<hbm>> -> memref<2x80xi32, #tpu.memory_space<hbm>>
            %dma_start3A_77 = arith.constant 0 : i32
            %dma_start3A_78 = arith.constant 0 : i32
            %dma_start3A_79 = tpu.memref_slice %arg3[%add3A_65, %dma_start3A_77, %dma_start3A_78] : memref<4000x2x80xi32, #tpu.memory_space<hbm>> -> memref<1x2x80xi32, #tpu.memory_space<hbm>>
            %dma_start3A_80 = tpu.memref_squeeze %dma_start3A_79 : memref<1x2x80xi32, #tpu.memory_space<hbm>> -> memref<2x80xi32, #tpu.memory_space<hbm>>
            tpu.enqueue_dma source(%dma_start3A_80 : memref<2x80xi32, #tpu.memory_space<hbm>>) target(%arg7 : memref<2x80xi32, #tpu.memory_space<vmem>>) target_semaphore(%run_scoped3A : memref<!tpu.dma_semaphore, #tpu.memory_space<semaphore_mem>>)
            %dma_wait3A_81 = arith.constant 0 : i32
            %dma_wait3A_82 = arith.constant 0 : i32
            %dma_wait3A_83 = tpu.memref_slice %arg3[%add3A_65, %dma_wait3A_81, %dma_wait3A_82] : memref<4000x2x80xi32, #tpu.memory_space<hbm>> -> memref<1x2x80xi32, #tpu.memory_space<hbm>>
            %dma_wait3A_84 = tpu.memref_squeeze %dma_wait3A_83 : memref<1x2x80xi32, #tpu.memory_space<hbm>> -> memref<2x80xi32, #tpu.memory_space<hbm>>
            %dma_wait3A_85 = arith.constant 0 : i32
            %dma_wait3A_86 = arith.constant 0 : i32
            %dma_wait3A_87 = tpu.memref_slice %arg3[%add3A_65, %dma_wait3A_85, %dma_wait3A_86] : memref<4000x2x80xi32, #tpu.memory_space<hbm>> -> memref<1x2x80xi32, #tpu.memory_space<hbm>>
            %dma_wait3A_88 = tpu.memref_squeeze %dma_wait3A_87 : memref<1x2x80xi32, #tpu.memory_space<hbm>> -> memref<2x80xi32, #tpu.memory_space<hbm>>
            tpu.wait_dma2 semaphore(%run_scoped3A : memref<!tpu.dma_semaphore, #tpu.memory_space<semaphore_mem>>) src(%dma_wait3A_88 : memref<2x80xi32, #tpu.memory_space<hbm>>) dst(%arg7 : memref<2x80xi32, #tpu.memory_space<vmem>>)
            tpu.yield
          }) : () -> ()
          %dma_start3A_66 = arith.constant 0 : i32
          %dma_start3A_67 = arith.constant 0 : i32
          %dma_start3A_68 = tpu.memref_slice %arg7[%dma_start3A_66, %dma_start3A_67] : memref<2x80xi32, #tpu.memory_space<vmem>> -> memref<1x80xi32, #tpu.memory_space<vmem>>
          %dma_start3A_69 = tpu.memref_squeeze %dma_start3A_68 : memref<1x80xi32, #tpu.memory_space<vmem>> -> memref<80xi32, #tpu.memory_space<vmem>>
          %dma_start3A_70 = arith.constant 0 : i32
          %dma_start3A_71 = arith.constant 0 : i32
          %dma_start3A_72 = tpu.memref_slice %arg2[%dma_start3A_70, %dma_start3A_71] : memref<10000x128xf32, #tpu.memory_space<hbm>> -> memref<10000x128xf32, #tpu.memory_space<hbm>>
          tpu.enqueue_indirect_dma source(%dma_start3A_72 : memref<10000x128xf32, #tpu.memory_space<hbm>>) target(%arg9 : memref<80x128xf32, #tpu.memory_space<vmem>>) offsets(%dma_start3A_69 : memref<80xi32, #tpu.memory_space<vmem>>) semaphore(%arg12 : memref<!tpu.dma_semaphore, #tpu.memory_space<semaphore_mem>>)
        } else {
        }
      } else {
      }
      %add3A_31 = arith.constant 1 : i32
      %add3A_32 = arith.addi %add3A_26, %add3A_31 : i32
      %lt3A_33 = arith.constant 125 : i32
      %lt3A_34 = arith.cmpi slt, %add3A_32, %lt3A_33 : i32
      %convert_element_type3A_35 = arith.extui %lt3A_34 : i1 to i32
      %cond3A_36 = arith.constant 0 : i32
      %cond3A_37 = arith.cmpi ne, %convert_element_type3A_35, %cond3A_36 : i32
      scf.if %cond3A_37 {
        %dma_wait3A_38 = arith.constant 0 : i32
        %dma_wait3A_39 = arith.constant 0 : i32
        %dma_wait3A_40 = tpu.memref_slice %arg7[%dma_wait3A_38, %dma_wait3A_39] : memref<2x80xi32, #tpu.memory_space<vmem>> -> memref<1x80xi32, #tpu.memory_space<vmem>>
        %dma_wait3A_41 = tpu.memref_squeeze %dma_wait3A_40 : memref<1x80xi32, #tpu.memory_space<vmem>> -> memref<80xi32, #tpu.memory_space<vmem>>
        %dma_wait3A_42 = arith.constant 0 : i32
        %dma_wait3A_43 = arith.constant 0 : i32
        %dma_wait3A_44 = tpu.memref_slice %arg2[%dma_wait3A_42, %dma_wait3A_43] : memref<10000x128xf32, #tpu.memory_space<hbm>> -> memref<10000x128xf32, #tpu.memory_space<hbm>>
        tpu.wait_indirect_dma semaphore(%arg12 : memref<!tpu.dma_semaphore, #tpu.memory_space<semaphore_mem>>) src(%dma_wait3A_44 : memref<10000x128xf32, #tpu.memory_space<hbm>>) dst(%arg9 : memref<80x128xf32, #tpu.memory_space<vmem>>)
        %gt3A = arith.constant 0 : i32
        %gt3A_45 = arith.cmpi sgt, %add3A_32, %gt3A : i32
        %convert_element_type3A_46 = arith.extui %gt3A_45 : i1 to i32
        %cond3A_47 = arith.constant 0 : i32
        %cond3A_48 = arith.cmpi ne, %convert_element_type3A_46, %cond3A_47 : i32
        scf.if %cond3A_48 {
          %dma_wait3A_63 = arith.constant 1 : i32
          %dma_wait3A_64 = arith.constant 0 : i32
          %dma_wait3A_65 = tpu.memref_slice %arg6[%dma_wait3A_63, %dma_wait3A_64] : memref<2x80xi32, #tpu.memory_space<vmem>> -> memref<1x80xi32, #tpu.memory_space<vmem>>
          %dma_wait3A_66 = tpu.memref_squeeze %dma_wait3A_65 : memref<1x80xi32, #tpu.memory_space<vmem>> -> memref<80xi32, #tpu.memory_space<vmem>>
          %dma_wait3A_67 = arith.constant 0 : i32
          %dma_wait3A_68 = arith.constant 0 : i32
          %dma_wait3A_69 = tpu.memref_slice %arg10[%dma_wait3A_67, %dma_wait3A_68] : memref<10240x128xf32, #tpu.memory_space<vmem_shared>> -> memref<10240x128xf32, #tpu.memory_space<vmem_shared>>
          tpu.wait_indirect_dma semaphore(%arg13 : memref<!tpu.dma_semaphore, #tpu.memory_space<semaphore_mem>>) src(%arg8 : memref<80x128xf32, #tpu.memory_space<vmem>>) dst(%dma_wait3A_69 : memref<10240x128xf32, #tpu.memory_space<vmem_shared>>)
        } else {
        }
        %dma_start3A_49 = arith.constant 1 : i32
        %dma_start3A_50 = arith.constant 0 : i32
        %dma_start3A_51 = tpu.memref_slice %arg7[%dma_start3A_49, %dma_start3A_50] : memref<2x80xi32, #tpu.memory_space<vmem>> -> memref<1x80xi32, #tpu.memory_space<vmem>>
        %dma_start3A_52 = tpu.memref_squeeze %dma_start3A_51 : memref<1x80xi32, #tpu.memory_space<vmem>> -> memref<80xi32, #tpu.memory_space<vmem>>
        %dma_start3A_53 = arith.constant 0 : i32
        %dma_start3A_54 = arith.constant 0 : i32
        %dma_start3A_55 = tpu.memref_slice %arg10[%dma_start3A_53, %dma_start3A_54] : memref<10240x128xf32, #tpu.memory_space<vmem_shared>> -> memref<10240x128xf32, #tpu.memory_space<vmem_shared>>
        tpu.enqueue_indirect_dma source(%arg9 : memref<80x128xf32, #tpu.memory_space<vmem>>) target(%dma_start3A_55 : memref<10240x128xf32, #tpu.memory_space<vmem_shared>>) offsets(%dma_start3A_52 : memref<80xi32, #tpu.memory_space<vmem>>) semaphore(%arg14 : memref<!tpu.dma_semaphore, #tpu.memory_space<semaphore_mem>>) {add = true}
        %add3A_56 = arith.constant 1 : i32
        %add3A_57 = arith.addi %add3A_32, %add3A_56 : i32
        %lt3A_58 = arith.constant 125 : i32
        %lt3A_59 = arith.cmpi slt, %add3A_57, %lt3A_58 : i32
        %convert_element_type3A_60 = arith.extui %lt3A_59 : i1 to i32
        %cond3A_61 = arith.constant 0 : i32
        %cond3A_62 = arith.cmpi ne, %convert_element_type3A_60, %cond3A_61 : i32
        scf.if %cond3A_62 {
          %add3A_63 = arith.addi %mul3A_4, %add3A_32 : i32
          %add3A_64 = arith.constant 1 : i32
          %add3A_65 = arith.addi %add3A_63, %add3A_64 : i32
          "tpu.region"() ({
            %run_scoped3A = tpu.sem_alloc : memref<!tpu.dma_semaphore, #tpu.memory_space<semaphore_mem>>
            %dma_start3A_73 = arith.constant 0 : i32
            %dma_start3A_74 = arith.constant 0 : i32
            %dma_start3A_75 = tpu.memref_slice %arg3[%add3A_65, %dma_start3A_73, %dma_start3A_74] : memref<4000x2x80xi32, #tpu.memory_space<hbm>> -> memref<1x2x80xi32, #tpu.memory_space<hbm>>
            %dma_start3A_76 = tpu.memref_squeeze %dma_start3A_75 : memref<1x2x80xi32, #tpu.memory_space<hbm>> -> memref<2x80xi32, #tpu.memory_space<hbm>>
            %dma_start3A_77 = arith.constant 0 : i32
            %dma_start3A_78 = arith.constant 0 : i32
            %dma_start3A_79 = tpu.memref_slice %arg3[%add3A_65, %dma_start3A_77, %dma_start3A_78] : memref<4000x2x80xi32, #tpu.memory_space<hbm>> -> memref<1x2x80xi32, #tpu.memory_space<hbm>>
            %dma_start3A_80 = tpu.memref_squeeze %dma_start3A_79 : memref<1x2x80xi32, #tpu.memory_space<hbm>> -> memref<2x80xi32, #tpu.memory_space<hbm>>
            tpu.enqueue_dma source(%dma_start3A_80 : memref<2x80xi32, #tpu.memory_space<hbm>>) target(%arg6 : memref<2x80xi32, #tpu.memory_space<vmem>>) target_semaphore(%run_scoped3A : memref<!tpu.dma_semaphore, #tpu.memory_space<semaphore_mem>>)
            %dma_wait3A_81 = arith.constant 0 : i32
            %dma_wait3A_82 = arith.constant 0 : i32
            %dma_wait3A_83 = tpu.memref_slice %arg3[%add3A_65, %dma_wait3A_81, %dma_wait3A_82] : memref<4000x2x80xi32, #tpu.memory_space<hbm>> -> memref<1x2x80xi32, #tpu.memory_space<hbm>>
            %dma_wait3A_84 = tpu.memref_squeeze %dma_wait3A_83 : memref<1x2x80xi32, #tpu.memory_space<hbm>> -> memref<2x80xi32, #tpu.memory_space<hbm>>
            %dma_wait3A_85 = arith.constant 0 : i32
            %dma_wait3A_86 = arith.constant 0 : i32
            %dma_wait3A_87 = tpu.memref_slice %arg3[%add3A_65, %dma_wait3A_85, %dma_wait3A_86] : memref<4000x2x80xi32, #tpu.memory_space<hbm>> -> memref<1x2x80xi32, #tpu.memory_space<hbm>>
            %dma_wait3A_88 = tpu.memref_squeeze %dma_wait3A_87 : memref<1x2x80xi32, #tpu.memory_space<hbm>> -> memref<2x80xi32, #tpu.memory_space<hbm>>
            tpu.wait_dma2 semaphore(%run_scoped3A : memref<!tpu.dma_semaphore, #tpu.memory_space<semaphore_mem>>) src(%dma_wait3A_88 : memref<2x80xi32, #tpu.memory_space<hbm>>) dst(%arg6 : memref<2x80xi32, #tpu.memory_space<vmem>>)
            tpu.yield
          }) : () -> ()
          %dma_start3A_66 = arith.constant 0 : i32
          %dma_start3A_67 = arith.constant 0 : i32
          %dma_start3A_68 = tpu.memref_slice %arg6[%dma_start3A_66, %dma_start3A_67] : memref<2x80xi32, #tpu.memory_space<vmem>> -> memref<1x80xi32, #tpu.memory_space<vmem>>
          %dma_start3A_69 = tpu.memref_squeeze %dma_start3A_68 : memref<1x80xi32, #tpu.memory_space<vmem>> -> memref<80xi32, #tpu.memory_space<vmem>>
          %dma_start3A_70 = arith.constant 0 : i32
          %dma_start3A_71 = arith.constant 0 : i32
          %dma_start3A_72 = tpu.memref_slice %arg2[%dma_start3A_70, %dma_start3A_71] : memref<10000x128xf32, #tpu.memory_space<hbm>> -> memref<10000x128xf32, #tpu.memory_space<hbm>>
          tpu.enqueue_indirect_dma source(%dma_start3A_72 : memref<10000x128xf32, #tpu.memory_space<hbm>>) target(%arg8 : memref<80x128xf32, #tpu.memory_space<vmem>>) offsets(%dma_start3A_69 : memref<80xi32, #tpu.memory_space<vmem>>) semaphore(%arg11 : memref<!tpu.dma_semaphore, #tpu.memory_space<semaphore_mem>>)
        } else {
        }
      } else {
      }
    }
    %scan3A_14 = arith.constant 63 : i32
    %dma_wait3A = arith.constant 1 : i32
    %dma_wait3A_15 = arith.constant 0 : i32
    %dma_wait3A_16 = tpu.memref_slice %arg6[%dma_wait3A, %dma_wait3A_15] : memref<2x80xi32, #tpu.memory_space<vmem>> -> memref<1x80xi32, #tpu.memory_space<vmem>>
    %dma_wait3A_17 = tpu.memref_squeeze %dma_wait3A_16 : memref<1x80xi32, #tpu.memory_space<vmem>> -> memref<80xi32, #tpu.memory_space<vmem>>
    %dma_wait3A_18 = arith.constant 0 : i32
    %dma_wait3A_19 = arith.constant 0 : i32
    %dma_wait3A_20 = tpu.memref_slice %arg10[%dma_wait3A_18, %dma_wait3A_19] : memref<10240x128xf32, #tpu.memory_space<vmem_shared>> -> memref<10240x128xf32, #tpu.memory_space<vmem_shared>>
    tpu.wait_indirect_dma semaphore(%arg13 : memref<!tpu.dma_semaphore, #tpu.memory_space<semaphore_mem>>) src(%arg8 : memref<80x128xf32, #tpu.memory_space<vmem>>) dst(%dma_wait3A_20 : memref<10240x128xf32, #tpu.memory_space<vmem_shared>>)
    %barrier3A_21 = arith.constant 0 : index
    tpu.barrier barrier_id(%barrier3A_21)
    "tpu.region"() ({
      %run_scoped3A = tpu.sem_alloc : memref<!tpu.dma_semaphore, #tpu.memory_space<semaphore_mem>>
      %dma_start3A_22 = arith.constant 0 : i32
      %dma_start3A_23 = tpu.memref_slice %arg5[%arg0, %mul3A_2, %dma_start3A_22] : memref<2x10240x128xf32, #tpu.memory_space<hbm>> -> memref<1x640x128xf32, #tpu.memory_space<hbm>>
      %dma_start3A_24 = tpu.memref_squeeze %dma_start3A_23 : memref<1x640x128xf32, #tpu.memory_space<hbm>> -> memref<640x128xf32, #tpu.memory_space<hbm>>
      %dma_start3A_25 = arith.constant 0 : i32
      %dma_start3A_26 = tpu.memref_slice %arg10[%mul3A_2, %dma_start3A_25] : memref<10240x128xf32, #tpu.memory_space<vmem_shared>> -> memref<640x128xf32, #tpu.memory_space<vmem_shared>>
      tpu.enqueue_dma source(%dma_start3A_26 : memref<640x128xf32, #tpu.memory_space<vmem_shared>>) target(%dma_start3A_24 : memref<640x128xf32, #tpu.memory_space<hbm>>) target_semaphore(%run_scoped3A : memref<!tpu.dma_semaphore, #tpu.memory_space<semaphore_mem>>)
      %dma_wait3A_27 = arith.constant 0 : i32
      %dma_wait3A_28 = tpu.memref_slice %arg5[%arg0, %mul3A_2, %dma_wait3A_27] : memref<2x10240x128xf32, #tpu.memory_space<hbm>> -> memref<1x640x128xf32, #tpu.memory_space<hbm>>
      %dma_wait3A_29 = tpu.memref_squeeze %dma_wait3A_28 : memref<1x640x128xf32, #tpu.memory_space<hbm>> -> memref<640x128xf32, #tpu.memory_space<hbm>>
      %dma_wait3A_30 = arith.constant 0 : i32
      %dma_wait3A_31 = tpu.memref_slice %arg10[%mul3A_2, %dma_wait3A_30] : memref<10240x128xf32, #tpu.memory_space<vmem_shared>> -> memref<640x128xf32, #tpu.memory_space<vmem_shared>>
      tpu.wait_dma2 semaphore(%run_scoped3A : memref<!tpu.dma_semaphore, #tpu.memory_space<semaphore_mem>>) src(%dma_wait3A_31 : memref<640x128xf32, #tpu.memory_space<vmem_shared>>) dst(%dma_wait3A_29 : memref<640x128xf32, #tpu.memory_space<hbm>>)
      tpu.yield
    }) : () -> ()
    return
  }
}

#map = affine_map<(d0, d1) -> (0, 0)>
#map1 = affine_map<(d0, d1) -> (0, 0, 0)>
module attributes {stable_mosaic.version = 14 : i64} {
  func.func @_sc_agg_body(%arg0: i32, %arg1: i32, %arg2: memref<10000x128xf32, #tpu.memory_space<hbm>>, %arg3: memref<4000x2x80xi32, #tpu.memory_space<hbm>>, %arg4: memref<10240x128xf32, #tpu.memory_space<hbm>>, %arg5: memref<2x10240x128xf32, #tpu.memory_space<hbm>>, %arg6: memref<2x80xi32, #tpu.memory_space<vmem>>, %arg7: memref<2x80xi32, #tpu.memory_space<vmem>>, %arg8: memref<80x128xf32, #tpu.memory_space<vmem>>, %arg9: memref<80x128xf32, #tpu.memory_space<vmem>>, %arg10: memref<10240x128xf32, #tpu.memory_space<vmem_shared>>, %arg11: memref<!tpu.dma_semaphore, #tpu.memory_space<semaphore_mem>>, %arg12: memref<!tpu.dma_semaphore, #tpu.memory_space<semaphore_mem>>, %arg13: memref<!tpu.dma_semaphore, #tpu.memory_space<semaphore_mem>>, %arg14: memref<!tpu.dma_semaphore, #tpu.memory_space<semaphore_mem>>) attributes {dimension_semantics = [#tpu.dimension_semantics<core_parallel>, #tpu.dimension_semantics<subcore_parallel>], iteration_bounds = array<i64: 2, 16>, scalar_prefetch = 0 : i64, scratch_operands = 9 : i64, tpu.core_type = #tpu.core_type<sc_vector_subcore>, window_params = [{transform_indices = #map}, {transform_indices = #map1}, {transform_indices = #map}, {transform_indices = #map1}]} {
    %mul3A = arith.constant 2 : i32
    %mul3A_0 = arith.muli %arg1, %mul3A : i32
    %add3A = arith.addi %mul3A_0, %arg0 : i32
    %mul3A_1 = arith.constant 640 : i32
    %mul3A_2 = arith.muli %arg1, %mul3A_1 : i32
    "tpu.region"() ({
      %run_scoped3A = tpu.sem_alloc : memref<!tpu.dma_semaphore, #tpu.memory_space<semaphore_mem>>
      %dma_start3A_22 = arith.constant 0 : i32
      %dma_start3A_23 = tpu.memref_slice %arg10[%mul3A_2, %dma_start3A_22] : memref<10240x128xf32, #tpu.memory_space<vmem_shared>> -> memref<640x128xf32, #tpu.memory_space<vmem_shared>>
      %dma_start3A_24 = arith.constant 0 : i32
      %dma_start3A_25 = tpu.memref_slice %arg4[%mul3A_2, %dma_start3A_24] : memref<10240x128xf32, #tpu.memory_space<hbm>> -> memref<640x128xf32, #tpu.memory_space<hbm>>
      tpu.enqueue_dma source(%dma_start3A_25 : memref<640x128xf32, #tpu.memory_space<hbm>>) target(%dma_start3A_23 : memref<640x128xf32, #tpu.memory_space<vmem_shared>>) target_semaphore(%run_scoped3A : memref<!tpu.dma_semaphore, #tpu.memory_space<semaphore_mem>>)
      %dma_wait3A_26 = arith.constant 0 : i32
      %dma_wait3A_27 = tpu.memref_slice %arg10[%mul3A_2, %dma_wait3A_26] : memref<10240x128xf32, #tpu.memory_space<vmem_shared>> -> memref<640x128xf32, #tpu.memory_space<vmem_shared>>
      %dma_wait3A_28 = arith.constant 0 : i32
      %dma_wait3A_29 = tpu.memref_slice %arg4[%mul3A_2, %dma_wait3A_28] : memref<10240x128xf32, #tpu.memory_space<hbm>> -> memref<640x128xf32, #tpu.memory_space<hbm>>
      tpu.wait_dma2 semaphore(%run_scoped3A : memref<!tpu.dma_semaphore, #tpu.memory_space<semaphore_mem>>) src(%dma_wait3A_29 : memref<640x128xf32, #tpu.memory_space<hbm>>) dst(%dma_wait3A_27 : memref<640x128xf32, #tpu.memory_space<vmem_shared>>)
      tpu.yield
    }) : () -> ()
    %barrier3A = arith.constant 0 : index
    tpu.barrier barrier_id(%barrier3A)
    %mul3A_3 = arith.constant 125 : i32
    %mul3A_4 = arith.muli %add3A, %mul3A_3 : i32
    "tpu.region"() ({
      %run_scoped3A = tpu.sem_alloc : memref<!tpu.dma_semaphore, #tpu.memory_space<semaphore_mem>>
      %dma_start3A_22 = arith.constant 0 : i32
      %dma_start3A_23 = arith.constant 0 : i32
      %dma_start3A_24 = tpu.memref_slice %arg3[%mul3A_4, %dma_start3A_22, %dma_start3A_23] : memref<4000x2x80xi32, #tpu.memory_space<hbm>> -> memref<1x2x80xi32, #tpu.memory_space<hbm>>
      %dma_start3A_25 = tpu.memref_squeeze %dma_start3A_24 : memref<1x2x80xi32, #tpu.memory_space<hbm>> -> memref<2x80xi32, #tpu.memory_space<hbm>>
      %dma_start3A_26 = arith.constant 0 : i32
      %dma_start3A_27 = arith.constant 0 : i32
      %dma_start3A_28 = tpu.memref_slice %arg3[%mul3A_4, %dma_start3A_26, %dma_start3A_27] : memref<4000x2x80xi32, #tpu.memory_space<hbm>> -> memref<1x2x80xi32, #tpu.memory_space<hbm>>
      %dma_start3A_29 = tpu.memref_squeeze %dma_start3A_28 : memref<1x2x80xi32, #tpu.memory_space<hbm>> -> memref<2x80xi32, #tpu.memory_space<hbm>>
      tpu.enqueue_dma source(%dma_start3A_29 : memref<2x80xi32, #tpu.memory_space<hbm>>) target(%arg6 : memref<2x80xi32, #tpu.memory_space<vmem>>) target_semaphore(%run_scoped3A : memref<!tpu.dma_semaphore, #tpu.memory_space<semaphore_mem>>)
      %dma_wait3A_30 = arith.constant 0 : i32
      %dma_wait3A_31 = arith.constant 0 : i32
      %dma_wait3A_32 = tpu.memref_slice %arg3[%mul3A_4, %dma_wait3A_30, %dma_wait3A_31] : memref<4000x2x80xi32, #tpu.memory_space<hbm>> -> memref<1x2x80xi32, #tpu.memory_space<hbm>>
      %dma_wait3A_33 = tpu.memref_squeeze %dma_wait3A_32 : memref<1x2x80xi32, #tpu.memory_space<hbm>> -> memref<2x80xi32, #tpu.memory_space<hbm>>
      %dma_wait3A_34 = arith.constant 0 : i32
      %dma_wait3A_35 = arith.constant 0 : i32
      %dma_wait3A_36 = tpu.memref_slice %arg3[%mul3A_4, %dma_wait3A_34, %dma_wait3A_35] : memref<4000x2x80xi32, #tpu.memory_space<hbm>> -> memref<1x2x80xi32, #tpu.memory_space<hbm>>
      %dma_wait3A_37 = tpu.memref_squeeze %dma_wait3A_36 : memref<1x2x80xi32, #tpu.memory_space<hbm>> -> memref<2x80xi32, #tpu.memory_space<hbm>>
      tpu.wait_dma2 semaphore(%run_scoped3A : memref<!tpu.dma_semaphore, #tpu.memory_space<semaphore_mem>>) src(%dma_wait3A_37 : memref<2x80xi32, #tpu.memory_space<hbm>>) dst(%arg6 : memref<2x80xi32, #tpu.memory_space<vmem>>)
      tpu.yield
    }) : () -> ()
    %dma_start3A = arith.constant 0 : i32
    %dma_start3A_5 = arith.constant 0 : i32
    %dma_start3A_6 = tpu.memref_slice %arg6[%dma_start3A, %dma_start3A_5] : memref<2x80xi32, #tpu.memory_space<vmem>> -> memref<1x80xi32, #tpu.memory_space<vmem>>
    %dma_start3A_7 = tpu.memref_squeeze %dma_start3A_6 : memref<1x80xi32, #tpu.memory_space<vmem>> -> memref<80xi32, #tpu.memory_space<vmem>>
    %dma_start3A_8 = arith.constant 0 : i32
    %dma_start3A_9 = arith.constant 0 : i32
    %dma_start3A_10 = tpu.memref_slice %arg2[%dma_start3A_8, %dma_start3A_9] : memref<10000x128xf32, #tpu.memory_space<hbm>> -> memref<10000x128xf32, #tpu.memory_space<hbm>>
    tpu.enqueue_indirect_dma source(%dma_start3A_10 : memref<10000x128xf32, #tpu.memory_space<hbm>>) target(%arg8 : memref<80x128xf32, #tpu.memory_space<vmem>>) offsets(%dma_start3A_7 : memref<80xi32, #tpu.memory_space<vmem>>) semaphore(%arg11 : memref<!tpu.dma_semaphore, #tpu.memory_space<semaphore_mem>>)
    %scan3A = arith.constant 0 : i32
    %scan3A_11 = arith.constant 63 : i32
    %scan3A_12 = arith.addi %scan3A, %scan3A_11 : i32
    %scan3A_13 = arith.constant 1 : i32
    scf.for %scan3A_22 = %scan3A to %scan3A_12 step %scan3A_13  : i32 {
      %mul3A_23 = arith.constant 2 : i32
      %mul3A_24 = arith.muli %scan3A_22, %mul3A_23 : i32
      %add3A_25 = arith.constant 0 : i32
      %add3A_26 = arith.addi %add3A_25, %mul3A_24 : i32
      %add3A_27 = arith.constant 0 : i32
      %add3A_28 = arith.addi %add3A_26, %add3A_27 : i32
      %lt3A = arith.constant 125 : i32
      %lt3A_29 = arith.cmpi slt, %add3A_28, %lt3A : i32
      %convert_element_type3A = arith.extui %lt3A_29 : i1 to i32
      %cond3A = arith.constant 0 : i32
      %cond3A_30 = arith.cmpi ne, %convert_element_type3A, %cond3A : i32
      scf.if %cond3A_30 {
        %dma_wait3A_38 = arith.constant 0 : i32
        %dma_wait3A_39 = arith.constant 0 : i32
        %dma_wait3A_40 = tpu.memref_slice %arg6[%dma_wait3A_38, %dma_wait3A_39] : memref<2x80xi32, #tpu.memory_space<vmem>> -> memref<1x80xi32, #tpu.memory_space<vmem>>
        %dma_wait3A_41 = tpu.memref_squeeze %dma_wait3A_40 : memref<1x80xi32, #tpu.memory_space<vmem>> -> memref<80xi32, #tpu.memory_space<vmem>>
        %dma_wait3A_42 = arith.constant 0 : i32
        %dma_wait3A_43 = arith.constant 0 : i32
        %dma_wait3A_44 = tpu.memref_slice %arg2[%dma_wait3A_42, %dma_wait3A_43] : memref<10000x128xf32, #tpu.memory_space<hbm>> -> memref<10000x128xf32, #tpu.memory_space<hbm>>
        tpu.wait_indirect_dma semaphore(%arg11 : memref<!tpu.dma_semaphore, #tpu.memory_space<semaphore_mem>>) src(%dma_wait3A_44 : memref<10000x128xf32, #tpu.memory_space<hbm>>) dst(%arg8 : memref<80x128xf32, #tpu.memory_space<vmem>>)
        %gt3A = arith.constant 0 : i32
        %gt3A_45 = arith.cmpi sgt, %add3A_28, %gt3A : i32
        %convert_element_type3A_46 = arith.extui %gt3A_45 : i1 to i32
        %cond3A_47 = arith.constant 0 : i32
        %cond3A_48 = arith.cmpi ne, %convert_element_type3A_46, %cond3A_47 : i32
        scf.if %cond3A_48 {
          %dma_wait3A_63 = arith.constant 1 : i32
          %dma_wait3A_64 = arith.constant 0 : i32
          %dma_wait3A_65 = tpu.memref_slice %arg7[%dma_wait3A_63, %dma_wait3A_64] : memref<2x80xi32, #tpu.memory_space<vmem>> -> memref<1x80xi32, #tpu.memory_space<vmem>>
          %dma_wait3A_66 = tpu.memref_squeeze %dma_wait3A_65 : memref<1x80xi32, #tpu.memory_space<vmem>> -> memref<80xi32, #tpu.memory_space<vmem>>
          %dma_wait3A_67 = arith.constant 0 : i32
          %dma_wait3A_68 = arith.constant 0 : i32
          %dma_wait3A_69 = tpu.memref_slice %arg10[%dma_wait3A_67, %dma_wait3A_68] : memref<10240x128xf32, #tpu.memory_space<vmem_shared>> -> memref<10240x128xf32, #tpu.memory_space<vmem_shared>>
          tpu.wait_indirect_dma semaphore(%arg14 : memref<!tpu.dma_semaphore, #tpu.memory_space<semaphore_mem>>) src(%arg9 : memref<80x128xf32, #tpu.memory_space<vmem>>) dst(%dma_wait3A_69 : memref<10240x128xf32, #tpu.memory_space<vmem_shared>>)
        } else {
        }
        %dma_start3A_49 = arith.constant 1 : i32
        %dma_start3A_50 = arith.constant 0 : i32
        %dma_start3A_51 = tpu.memref_slice %arg6[%dma_start3A_49, %dma_start3A_50] : memref<2x80xi32, #tpu.memory_space<vmem>> -> memref<1x80xi32, #tpu.memory_space<vmem>>
        %dma_start3A_52 = tpu.memref_squeeze %dma_start3A_51 : memref<1x80xi32, #tpu.memory_space<vmem>> -> memref<80xi32, #tpu.memory_space<vmem>>
        %dma_start3A_53 = arith.constant 0 : i32
        %dma_start3A_54 = arith.constant 0 : i32
        %dma_start3A_55 = tpu.memref_slice %arg10[%dma_start3A_53, %dma_start3A_54] : memref<10240x128xf32, #tpu.memory_space<vmem_shared>> -> memref<10240x128xf32, #tpu.memory_space<vmem_shared>>
        tpu.enqueue_indirect_dma source(%arg8 : memref<80x128xf32, #tpu.memory_space<vmem>>) target(%dma_start3A_55 : memref<10240x128xf32, #tpu.memory_space<vmem_shared>>) offsets(%dma_start3A_52 : memref<80xi32, #tpu.memory_space<vmem>>) semaphore(%arg13 : memref<!tpu.dma_semaphore, #tpu.memory_space<semaphore_mem>>) {add = true}
        %add3A_56 = arith.constant 1 : i32
        %add3A_57 = arith.addi %add3A_28, %add3A_56 : i32
        %lt3A_58 = arith.constant 125 : i32
        %lt3A_59 = arith.cmpi slt, %add3A_57, %lt3A_58 : i32
        %convert_element_type3A_60 = arith.extui %lt3A_59 : i1 to i32
        %cond3A_61 = arith.constant 0 : i32
        %cond3A_62 = arith.cmpi ne, %convert_element_type3A_60, %cond3A_61 : i32
        scf.if %cond3A_62 {
          %add3A_63 = arith.addi %mul3A_4, %add3A_28 : i32
          %add3A_64 = arith.constant 1 : i32
          %add3A_65 = arith.addi %add3A_63, %add3A_64 : i32
          "tpu.region"() ({
            %run_scoped3A = tpu.sem_alloc : memref<!tpu.dma_semaphore, #tpu.memory_space<semaphore_mem>>
            %dma_start3A_73 = arith.constant 0 : i32
            %dma_start3A_74 = arith.constant 0 : i32
            %dma_start3A_75 = tpu.memref_slice %arg3[%add3A_65, %dma_start3A_73, %dma_start3A_74] : memref<4000x2x80xi32, #tpu.memory_space<hbm>> -> memref<1x2x80xi32, #tpu.memory_space<hbm>>
            %dma_start3A_76 = tpu.memref_squeeze %dma_start3A_75 : memref<1x2x80xi32, #tpu.memory_space<hbm>> -> memref<2x80xi32, #tpu.memory_space<hbm>>
            %dma_start3A_77 = arith.constant 0 : i32
            %dma_start3A_78 = arith.constant 0 : i32
            %dma_start3A_79 = tpu.memref_slice %arg3[%add3A_65, %dma_start3A_77, %dma_start3A_78] : memref<4000x2x80xi32, #tpu.memory_space<hbm>> -> memref<1x2x80xi32, #tpu.memory_space<hbm>>
            %dma_start3A_80 = tpu.memref_squeeze %dma_start3A_79 : memref<1x2x80xi32, #tpu.memory_space<hbm>> -> memref<2x80xi32, #tpu.memory_space<hbm>>
            tpu.enqueue_dma source(%dma_start3A_80 : memref<2x80xi32, #tpu.memory_space<hbm>>) target(%arg7 : memref<2x80xi32, #tpu.memory_space<vmem>>) target_semaphore(%run_scoped3A : memref<!tpu.dma_semaphore, #tpu.memory_space<semaphore_mem>>)
            %dma_wait3A_81 = arith.constant 0 : i32
            %dma_wait3A_82 = arith.constant 0 : i32
            %dma_wait3A_83 = tpu.memref_slice %arg3[%add3A_65, %dma_wait3A_81, %dma_wait3A_82] : memref<4000x2x80xi32, #tpu.memory_space<hbm>> -> memref<1x2x80xi32, #tpu.memory_space<hbm>>
            %dma_wait3A_84 = tpu.memref_squeeze %dma_wait3A_83 : memref<1x2x80xi32, #tpu.memory_space<hbm>> -> memref<2x80xi32, #tpu.memory_space<hbm>>
            %dma_wait3A_85 = arith.constant 0 : i32
            %dma_wait3A_86 = arith.constant 0 : i32
            %dma_wait3A_87 = tpu.memref_slice %arg3[%add3A_65, %dma_wait3A_85, %dma_wait3A_86] : memref<4000x2x80xi32, #tpu.memory_space<hbm>> -> memref<1x2x80xi32, #tpu.memory_space<hbm>>
            %dma_wait3A_88 = tpu.memref_squeeze %dma_wait3A_87 : memref<1x2x80xi32, #tpu.memory_space<hbm>> -> memref<2x80xi32, #tpu.memory_space<hbm>>
            tpu.wait_dma2 semaphore(%run_scoped3A : memref<!tpu.dma_semaphore, #tpu.memory_space<semaphore_mem>>) src(%dma_wait3A_88 : memref<2x80xi32, #tpu.memory_space<hbm>>) dst(%arg7 : memref<2x80xi32, #tpu.memory_space<vmem>>)
            tpu.yield
          }) : () -> ()
          %dma_start3A_66 = arith.constant 0 : i32
          %dma_start3A_67 = arith.constant 0 : i32
          %dma_start3A_68 = tpu.memref_slice %arg7[%dma_start3A_66, %dma_start3A_67] : memref<2x80xi32, #tpu.memory_space<vmem>> -> memref<1x80xi32, #tpu.memory_space<vmem>>
          %dma_start3A_69 = tpu.memref_squeeze %dma_start3A_68 : memref<1x80xi32, #tpu.memory_space<vmem>> -> memref<80xi32, #tpu.memory_space<vmem>>
          %dma_start3A_70 = arith.constant 0 : i32
          %dma_start3A_71 = arith.constant 0 : i32
          %dma_start3A_72 = tpu.memref_slice %arg2[%dma_start3A_70, %dma_start3A_71] : memref<10000x128xf32, #tpu.memory_space<hbm>> -> memref<10000x128xf32, #tpu.memory_space<hbm>>
          tpu.enqueue_indirect_dma source(%dma_start3A_72 : memref<10000x128xf32, #tpu.memory_space<hbm>>) target(%arg9 : memref<80x128xf32, #tpu.memory_space<vmem>>) offsets(%dma_start3A_69 : memref<80xi32, #tpu.memory_space<vmem>>) semaphore(%arg12 : memref<!tpu.dma_semaphore, #tpu.memory_space<semaphore_mem>>)
        } else {
        }
      } else {
      }
      %add3A_31 = arith.constant 1 : i32
      %add3A_32 = arith.addi %add3A_26, %add3A_31 : i32
      %lt3A_33 = arith.constant 125 : i32
      %lt3A_34 = arith.cmpi slt, %add3A_32, %lt3A_33 : i32
      %convert_element_type3A_35 = arith.extui %lt3A_34 : i1 to i32
      %cond3A_36 = arith.constant 0 : i32
      %cond3A_37 = arith.cmpi ne, %convert_element_type3A_35, %cond3A_36 : i32
      scf.if %cond3A_37 {
        %dma_wait3A_38 = arith.constant 0 : i32
        %dma_wait3A_39 = arith.constant 0 : i32
        %dma_wait3A_40 = tpu.memref_slice %arg7[%dma_wait3A_38, %dma_wait3A_39] : memref<2x80xi32, #tpu.memory_space<vmem>> -> memref<1x80xi32, #tpu.memory_space<vmem>>
        %dma_wait3A_41 = tpu.memref_squeeze %dma_wait3A_40 : memref<1x80xi32, #tpu.memory_space<vmem>> -> memref<80xi32, #tpu.memory_space<vmem>>
        %dma_wait3A_42 = arith.constant 0 : i32
        %dma_wait3A_43 = arith.constant 0 : i32
        %dma_wait3A_44 = tpu.memref_slice %arg2[%dma_wait3A_42, %dma_wait3A_43] : memref<10000x128xf32, #tpu.memory_space<hbm>> -> memref<10000x128xf32, #tpu.memory_space<hbm>>
        tpu.wait_indirect_dma semaphore(%arg12 : memref<!tpu.dma_semaphore, #tpu.memory_space<semaphore_mem>>) src(%dma_wait3A_44 : memref<10000x128xf32, #tpu.memory_space<hbm>>) dst(%arg9 : memref<80x128xf32, #tpu.memory_space<vmem>>)
        %gt3A = arith.constant 0 : i32
        %gt3A_45 = arith.cmpi sgt, %add3A_32, %gt3A : i32
        %convert_element_type3A_46 = arith.extui %gt3A_45 : i1 to i32
        %cond3A_47 = arith.constant 0 : i32
        %cond3A_48 = arith.cmpi ne, %convert_element_type3A_46, %cond3A_47 : i32
        scf.if %cond3A_48 {
          %dma_wait3A_63 = arith.constant 1 : i32
          %dma_wait3A_64 = arith.constant 0 : i32
          %dma_wait3A_65 = tpu.memref_slice %arg6[%dma_wait3A_63, %dma_wait3A_64] : memref<2x80xi32, #tpu.memory_space<vmem>> -> memref<1x80xi32, #tpu.memory_space<vmem>>
          %dma_wait3A_66 = tpu.memref_squeeze %dma_wait3A_65 : memref<1x80xi32, #tpu.memory_space<vmem>> -> memref<80xi32, #tpu.memory_space<vmem>>
          %dma_wait3A_67 = arith.constant 0 : i32
          %dma_wait3A_68 = arith.constant 0 : i32
          %dma_wait3A_69 = tpu.memref_slice %arg10[%dma_wait3A_67, %dma_wait3A_68] : memref<10240x128xf32, #tpu.memory_space<vmem_shared>> -> memref<10240x128xf32, #tpu.memory_space<vmem_shared>>
          tpu.wait_indirect_dma semaphore(%arg13 : memref<!tpu.dma_semaphore, #tpu.memory_space<semaphore_mem>>) src(%arg8 : memref<80x128xf32, #tpu.memory_space<vmem>>) dst(%dma_wait3A_69 : memref<10240x128xf32, #tpu.memory_space<vmem_shared>>)
        } else {
        }
        %dma_start3A_49 = arith.constant 1 : i32
        %dma_start3A_50 = arith.constant 0 : i32
        %dma_start3A_51 = tpu.memref_slice %arg7[%dma_start3A_49, %dma_start3A_50] : memref<2x80xi32, #tpu.memory_space<vmem>> -> memref<1x80xi32, #tpu.memory_space<vmem>>
        %dma_start3A_52 = tpu.memref_squeeze %dma_start3A_51 : memref<1x80xi32, #tpu.memory_space<vmem>> -> memref<80xi32, #tpu.memory_space<vmem>>
        %dma_start3A_53 = arith.constant 0 : i32
        %dma_start3A_54 = arith.constant 0 : i32
        %dma_start3A_55 = tpu.memref_slice %arg10[%dma_start3A_53, %dma_start3A_54] : memref<10240x128xf32, #tpu.memory_space<vmem_shared>> -> memref<10240x128xf32, #tpu.memory_space<vmem_shared>>
        tpu.enqueue_indirect_dma source(%arg9 : memref<80x128xf32, #tpu.memory_space<vmem>>) target(%dma_start3A_55 : memref<10240x128xf32, #tpu.memory_space<vmem_shared>>) offsets(%dma_start3A_52 : memref<80xi32, #tpu.memory_space<vmem>>) semaphore(%arg14 : memref<!tpu.dma_semaphore, #tpu.memory_space<semaphore_mem>>) {add = true}
        %add3A_56 = arith.constant 1 : i32
        %add3A_57 = arith.addi %add3A_32, %add3A_56 : i32
        %lt3A_58 = arith.constant 125 : i32
        %lt3A_59 = arith.cmpi slt, %add3A_57, %lt3A_58 : i32
        %convert_element_type3A_60 = arith.extui %lt3A_59 : i1 to i32
        %cond3A_61 = arith.constant 0 : i32
        %cond3A_62 = arith.cmpi ne, %convert_element_type3A_60, %cond3A_61 : i32
        scf.if %cond3A_62 {
          %add3A_63 = arith.addi %mul3A_4, %add3A_32 : i32
          %add3A_64 = arith.constant 1 : i32
          %add3A_65 = arith.addi %add3A_63, %add3A_64 : i32
          "tpu.region"() ({
            %run_scoped3A = tpu.sem_alloc : memref<!tpu.dma_semaphore, #tpu.memory_space<semaphore_mem>>
            %dma_start3A_73 = arith.constant 0 : i32
            %dma_start3A_74 = arith.constant 0 : i32
            %dma_start3A_75 = tpu.memref_slice %arg3[%add3A_65, %dma_start3A_73, %dma_start3A_74] : memref<4000x2x80xi32, #tpu.memory_space<hbm>> -> memref<1x2x80xi32, #tpu.memory_space<hbm>>
            %dma_start3A_76 = tpu.memref_squeeze %dma_start3A_75 : memref<1x2x80xi32, #tpu.memory_space<hbm>> -> memref<2x80xi32, #tpu.memory_space<hbm>>
            %dma_start3A_77 = arith.constant 0 : i32
            %dma_start3A_78 = arith.constant 0 : i32
            %dma_start3A_79 = tpu.memref_slice %arg3[%add3A_65, %dma_start3A_77, %dma_start3A_78] : memref<4000x2x80xi32, #tpu.memory_space<hbm>> -> memref<1x2x80xi32, #tpu.memory_space<hbm>>
            %dma_start3A_80 = tpu.memref_squeeze %dma_start3A_79 : memref<1x2x80xi32, #tpu.memory_space<hbm>> -> memref<2x80xi32, #tpu.memory_space<hbm>>
            tpu.enqueue_dma source(%dma_start3A_80 : memref<2x80xi32, #tpu.memory_space<hbm>>) target(%arg6 : memref<2x80xi32, #tpu.memory_space<vmem>>) target_semaphore(%run_scoped3A : memref<!tpu.dma_semaphore, #tpu.memory_space<semaphore_mem>>)
            %dma_wait3A_81 = arith.constant 0 : i32
            %dma_wait3A_82 = arith.constant 0 : i32
            %dma_wait3A_83 = tpu.memref_slice %arg3[%add3A_65, %dma_wait3A_81, %dma_wait3A_82] : memref<4000x2x80xi32, #tpu.memory_space<hbm>> -> memref<1x2x80xi32, #tpu.memory_space<hbm>>
            %dma_wait3A_84 = tpu.memref_squeeze %dma_wait3A_83 : memref<1x2x80xi32, #tpu.memory_space<hbm>> -> memref<2x80xi32, #tpu.memory_space<hbm>>
            %dma_wait3A_85 = arith.constant 0 : i32
            %dma_wait3A_86 = arith.constant 0 : i32
            %dma_wait3A_87 = tpu.memref_slice %arg3[%add3A_65, %dma_wait3A_85, %dma_wait3A_86] : memref<4000x2x80xi32, #tpu.memory_space<hbm>> -> memref<1x2x80xi32, #tpu.memory_space<hbm>>
            %dma_wait3A_88 = tpu.memref_squeeze %dma_wait3A_87 : memref<1x2x80xi32, #tpu.memory_space<hbm>> -> memref<2x80xi32, #tpu.memory_space<hbm>>
            tpu.wait_dma2 semaphore(%run_scoped3A : memref<!tpu.dma_semaphore, #tpu.memory_space<semaphore_mem>>) src(%dma_wait3A_88 : memref<2x80xi32, #tpu.memory_space<hbm>>) dst(%arg6 : memref<2x80xi32, #tpu.memory_space<vmem>>)
            tpu.yield
          }) : () -> ()
          %dma_start3A_66 = arith.constant 0 : i32
          %dma_start3A_67 = arith.constant 0 : i32
          %dma_start3A_68 = tpu.memref_slice %arg6[%dma_start3A_66, %dma_start3A_67] : memref<2x80xi32, #tpu.memory_space<vmem>> -> memref<1x80xi32, #tpu.memory_space<vmem>>
          %dma_start3A_69 = tpu.memref_squeeze %dma_start3A_68 : memref<1x80xi32, #tpu.memory_space<vmem>> -> memref<80xi32, #tpu.memory_space<vmem>>
          %dma_start3A_70 = arith.constant 0 : i32
          %dma_start3A_71 = arith.constant 0 : i32
          %dma_start3A_72 = tpu.memref_slice %arg2[%dma_start3A_70, %dma_start3A_71] : memref<10000x128xf32, #tpu.memory_space<hbm>> -> memref<10000x128xf32, #tpu.memory_space<hbm>>
          tpu.enqueue_indirect_dma source(%dma_start3A_72 : memref<10000x128xf32, #tpu.memory_space<hbm>>) target(%arg8 : memref<80x128xf32, #tpu.memory_space<vmem>>) offsets(%dma_start3A_69 : memref<80xi32, #tpu.memory_space<vmem>>) semaphore(%arg11 : memref<!tpu.dma_semaphore, #tpu.memory_space<semaphore_mem>>)
        } else {
        }
      } else {
      }
    }
    %scan3A_14 = arith.constant 63 : i32
    %dma_wait3A = arith.constant 1 : i32
    %dma_wait3A_15 = arith.constant 0 : i32
    %dma_wait3A_16 = tpu.memref_slice %arg6[%dma_wait3A, %dma_wait3A_15] : memref<2x80xi32, #tpu.memory_space<vmem>> -> memref<1x80xi32, #tpu.memory_space<vmem>>
    %dma_wait3A_17 = tpu.memref_squeeze %dma_wait3A_16 : memref<1x80xi32, #tpu.memory_space<vmem>> -> memref<80xi32, #tpu.memory_space<vmem>>
    %dma_wait3A_18 = arith.constant 0 : i32
    %dma_wait3A_19 = arith.constant 0 : i32
    %dma_wait3A_20 = tpu.memref_slice %arg10[%dma_wait3A_18, %dma_wait3A_19] : memref<10240x128xf32, #tpu.memory_space<vmem_shared>> -> memref<10240x128xf32, #tpu.memory_space<vmem_shared>>
    tpu.wait_indirect_dma semaphore(%arg13 : memref<!tpu.dma_semaphore, #tpu.memory_space<semaphore_mem>>) src(%arg8 : memref<80x128xf32, #tpu.memory_space<vmem>>) dst(%dma_wait3A_20 : memref<10240x128xf32, #tpu.memory_space<vmem_shared>>)
    %barrier3A_21 = arith.constant 0 : index
    tpu.barrier barrier_id(%barrier3A_21)
    "tpu.region"() ({
      %run_scoped3A = tpu.sem_alloc : memref<!tpu.dma_semaphore, #tpu.memory_space<semaphore_mem>>
      %dma_start3A_22 = arith.constant 0 : i32
      %dma_start3A_23 = tpu.memref_slice %arg5[%arg0, %mul3A_2, %dma_start3A_22] : memref<2x10240x128xf32, #tpu.memory_space<hbm>> -> memref<1x640x128xf32, #tpu.memory_space<hbm>>
      %dma_start3A_24 = tpu.memref_squeeze %dma_start3A_23 : memref<1x640x128xf32, #tpu.memory_space<hbm>> -> memref<640x128xf32, #tpu.memory_space<hbm>>
      %dma_start3A_25 = arith.constant 0 : i32
      %dma_start3A_26 = tpu.memref_slice %arg10[%mul3A_2, %dma_start3A_25] : memref<10240x128xf32, #tpu.memory_space<vmem_shared>> -> memref<640x128xf32, #tpu.memory_space<vmem_shared>>
      tpu.enqueue_dma source(%dma_start3A_26 : memref<640x128xf32, #tpu.memory_space<vmem_shared>>) target(%dma_start3A_24 : memref<640x128xf32, #tpu.memory_space<hbm>>) target_semaphore(%run_scoped3A : memref<!tpu.dma_semaphore, #tpu.memory_space<semaphore_mem>>)
      %dma_wait3A_27 = arith.constant 0 : i32
      %dma_wait3A_28 = tpu.memref_slice %arg5[%arg0, %mul3A_2, %dma_wait3A_27] : memref<2x10240x128xf32, #tpu.memory_space<hbm>> -> memref<1x640x128xf32, #tpu.memory_space<hbm>>
      %dma_wait3A_29 = tpu.memref_squeeze %dma_wait3A_28 : memref<1x640x128xf32, #tpu.memory_space<hbm>> -> memref<640x128xf32, #tpu.memory_space<hbm>>
      %dma_wait3A_30 = arith.constant 0 : i32
      %dma_wait3A_31 = tpu.memref_slice %arg10[%mul3A_2, %dma_wait3A_30] : memref<10240x128xf32, #tpu.memory_space<vmem_shared>> -> memref<640x128xf32, #tpu.memory_space<vmem_shared>>
      tpu.wait_dma2 semaphore(%run_scoped3A : memref<!tpu.dma_semaphore, #tpu.memory_space<semaphore_mem>>) src(%dma_wait3A_31 : memref<640x128xf32, #tpu.memory_space<vmem_shared>>) dst(%dma_wait3A_29 : memref<640x128xf32, #tpu.memory_space<hbm>>)
      tpu.yield
    }) : () -> ()
    return
  }
}

module attributes {stable_mosaic.version = 14 : i64} {
  func.func @_tc_layer1_body(%arg0: i32, %arg1: memref<2x400x128xf32, #tpu.memory_space<vmem>>, %arg2: memref<2x400x128xf32, #tpu.memory_space<vmem>>, %arg3: memref<400x128xf32, #tpu.memory_space<vmem>>, %arg4: memref<128x128xf32, #tpu.memory_space<vmem>>, %arg5: memref<1x128xf32, #tpu.memory_space<vmem>>, %arg6: memref<128x128xf32, #tpu.memory_space<vmem>>, %arg7: memref<400x128xf32, #tpu.memory_space<vmem>>) attributes {dimension_semantics = [#tpu.dimension_semantics<arbitrary>], iteration_bounds = array<i64: 25>, scalar_prefetch = 0 : i64, scratch_operands = 0 : i64, tpu.core_type = #tpu.core_type<tc>, window_params = [{transform_indices = @transform_0, window_bounds = array<i64: 2, 400, 128>}, {transform_indices = @transform_1, window_bounds = array<i64: 2, 400, 128>}, {transform_indices = @transform_2, window_bounds = array<i64: 400, 128>}, {pipeline_mode = #tpu.pipeline_mode<synchronous>, transform_indices = @transform_3, window_bounds = array<i64: 128, 128>}, {pipeline_mode = #tpu.pipeline_mode<synchronous>, transform_indices = @transform_4, window_bounds = array<i64: 1, 128>}, {pipeline_mode = #tpu.pipeline_mode<synchronous>, transform_indices = @transform_5, window_bounds = array<i64: 128, 128>}, {transform_indices = @transform_6, window_bounds = array<i64: 400, 128>}]} {
    %get3A = arith.constant 0 : index
    %get3A_0 = arith.constant 0 : index
    %get3A_1 = arith.constant 0 : index
    %get3A_2 = vector.load %arg1[%get3A, %get3A_0, %get3A_1] : memref<2x400x128xf32, #tpu.memory_space<vmem>>, vector<1x400x128xf32>
    %get3A_3 = vector.shape_cast %get3A_2 : vector<1x400x128xf32> to vector<400x128xf32>
    %get3A_4 = arith.constant 1 : index
    %get3A_5 = arith.constant 0 : index
    %get3A_6 = arith.constant 0 : index
    %get3A_7 = vector.load %arg1[%get3A_4, %get3A_5, %get3A_6] : memref<2x400x128xf32, #tpu.memory_space<vmem>>, vector<1x400x128xf32>
    %get3A_8 = vector.shape_cast %get3A_7 : vector<1x400x128xf32> to vector<400x128xf32>
    %add3A = arith.addf %get3A_3, %get3A_8 : vector<400x128xf32>
    %get3A_9 = arith.constant 0 : index
    %get3A_10 = arith.constant 0 : index
    %get3A_11 = arith.constant 0 : index
    %get3A_12 = vector.load %arg2[%get3A_9, %get3A_10, %get3A_11] : memref<2x400x128xf32, #tpu.memory_space<vmem>>, vector<1x400x1xf32>
    %get3A_13 = vector.shape_cast %get3A_12 : vector<1x400x1xf32> to vector<400x1xf32>
    %get3A_14 = arith.constant 1 : index
    %get3A_15 = arith.constant 0 : index
    %get3A_16 = arith.constant 0 : index
    %get3A_17 = vector.load %arg2[%get3A_14, %get3A_15, %get3A_16] : memref<2x400x128xf32, #tpu.memory_space<vmem>>, vector<1x400x1xf32>
    %get3A_18 = vector.shape_cast %get3A_17 : vector<1x400x1xf32> to vector<400x1xf32>
    %add3A_19 = arith.addf %get3A_13, %get3A_18 : vector<400x1xf32>
    %max3A = arith.constant 1.000000e+00 : f32
    %max3A_20 = vector.broadcast %max3A : f32 to vector<400x1xf32>
    %max3A_21 = arith.maximumf %add3A_19, %max3A_20 : vector<400x1xf32>
    %div3A = vector.broadcast %max3A_21 : vector<400x1xf32> to vector<400x128xf32>
    %div3A_22 = arith.divf %add3A, %div3A : vector<400x128xf32>
    %get3A_23 = arith.constant 0 : index
    %get3A_24 = arith.constant 0 : index
    %get3A_25 = vector.load %arg4[%get3A_23, %get3A_24] : memref<128x128xf32, #tpu.memory_space<vmem>>, vector<128x128xf32>
    %dot_general3A = arith.constant dense<0.000000e+00> : vector<400x128xf32>
    %dot_general3A_26 = tpu.matmul %div3A_22, %get3A_25, %dot_general3A {dimension_numbers = #tpu.dot_dimension_numbers<[1], [0], [0], [1], [0, 0, 1, 1], [], []>, transpose_lhs_hint = false} : vector<400x128xf32>, vector<128x128xf32>, vector<400x128xf32> -> vector<400x128xf32>
    %get3A_27 = arith.constant 0 : index
    %get3A_28 = arith.constant 0 : index
    %get3A_29 = vector.load %arg5[%get3A_27, %get3A_28] : memref<1x128xf32, #tpu.memory_space<vmem>>, vector<1x128xf32>
    %add3A_30 = vector.broadcast %get3A_29 : vector<1x128xf32> to vector<400x128xf32>
    %add3A_31 = arith.addf %dot_general3A_26, %add3A_30 : vector<400x128xf32>
    %get3A_32 = arith.constant 0 : index
    %get3A_33 = arith.constant 0 : index
    %get3A_34 = vector.load %arg3[%get3A_32, %get3A_33] : memref<400x128xf32, #tpu.memory_space<vmem>>, vector<400x128xf32>
    %get3A_35 = arith.constant 0 : index
    %get3A_36 = arith.constant 0 : index
    %get3A_37 = vector.load %arg6[%get3A_35, %get3A_36] : memref<128x128xf32, #tpu.memory_space<vmem>>, vector<128x128xf32>
    %dot_general3A_38 = arith.constant dense<0.000000e+00> : vector<400x128xf32>
    %dot_general3A_39 = tpu.matmul %get3A_34, %get3A_37, %dot_general3A_38 {dimension_numbers = #tpu.dot_dimension_numbers<[1], [0], [0], [1], [0, 0, 1, 1], [], []>, transpose_lhs_hint = false} : vector<400x128xf32>, vector<128x128xf32>, vector<400x128xf32> -> vector<400x128xf32>
    %add3A_40 = arith.addf %add3A_31, %dot_general3A_39 : vector<400x128xf32>
    %max3A_41 = arith.constant 0.000000e+00 : f32
    %max3A_42 = vector.broadcast %max3A_41 : f32 to vector<400x128xf32>
    %max3A_43 = arith.maximumf %add3A_40, %max3A_42 : vector<400x128xf32>
    %swap3A = arith.constant 0 : index
    %swap3A_44 = arith.constant 0 : index
    %swap3A_45 = vector.load %arg7[%swap3A, %swap3A_44] : memref<400x128xf32, #tpu.memory_space<vmem>>, vector<400x128xf32>
    tpu.vector_store %arg7[%swap3A, %swap3A_44], %max3A_43 {strides = array<i32>} : memref<400x128xf32, #tpu.memory_space<vmem>>, vector<400x128xf32>,
    return
  }
  func.func @transform_0(%arg0: i32) -> (i32, i32, i32) {
    %c0_i32 = arith.constant 0 : i32
    %c0_i32_0 = arith.constant 0 : i32
    %c0_i32_1 = arith.constant 0 : i32
    return %c0_i32, %arg0, %c0_i32_0 : i32, i32, i32
  }
  func.func @transform_1(%arg0: i32) -> (i32, i32, i32) {
    %c0_i32 = arith.constant 0 : i32
    %c0_i32_0 = arith.constant 0 : i32
    %c0_i32_1 = arith.constant 0 : i32
    return %c0_i32, %arg0, %c0_i32_0 : i32, i32, i32
  }
  func.func @transform_2(%arg0: i32) -> (i32, i32) {
    %c0_i32 = arith.constant 0 : i32
    %c0_i32_0 = arith.constant 0 : i32
    return %arg0, %c0_i32 : i32, i32
  }
  func.func @transform_3(%arg0: i32) -> (i32, i32) {
    %c0_i32 = arith.constant 0 : i32
    %c0_i32_0 = arith.constant 0 : i32
    %c0_i32_1 = arith.constant 0 : i32
    return %c0_i32, %c0_i32_0 : i32, i32
  }
  func.func @transform_4(%arg0: i32) -> (i32, i32) {
    %c0_i32 = arith.constant 0 : i32
    %c0_i32_0 = arith.constant 0 : i32
    %c0_i32_1 = arith.constant 0 : i32
    return %c0_i32, %c0_i32_0 : i32, i32
  }
  func.func @transform_5(%arg0: i32) -> (i32, i32) {
    %c0_i32 = arith.constant 0 : i32
    %c0_i32_0 = arith.constant 0 : i32
    %c0_i32_1 = arith.constant 0 : i32
    return %c0_i32, %c0_i32_0 : i32, i32
  }
  func.func @transform_6(%arg0: i32) -> (i32, i32) {
    %c0_i32 = arith.constant 0 : i32
    %c0_i32_0 = arith.constant 0 : i32
    return %arg0, %c0_i32 : i32, i32
  }
}

module attributes {stable_mosaic.version = 14 : i64} {
  func.func @_tc_layer2_body(%arg0: i32, %arg1: memref<2x400x128xf32, #tpu.memory_space<vmem>>, %arg2: memref<2x400x128xf32, #tpu.memory_space<vmem>>, %arg3: memref<400x128xf32, #tpu.memory_space<vmem>>, %arg4: memref<128x128xf32, #tpu.memory_space<vmem>>, %arg5: memref<1x128xf32, #tpu.memory_space<vmem>>, %arg6: memref<128x128xf32, #tpu.memory_space<vmem>>, %arg7: memref<128x128xf32, #tpu.memory_space<vmem>>, %arg8: memref<1x128xf32, #tpu.memory_space<vmem>>, %arg9: memref<400x128xf32, #tpu.memory_space<vmem>>) attributes {dimension_semantics = [#tpu.dimension_semantics<arbitrary>], iteration_bounds = array<i64: 25>, scalar_prefetch = 0 : i64, scratch_operands = 0 : i64, tpu.core_type = #tpu.core_type<tc>, window_params = [{transform_indices = @transform_0, window_bounds = array<i64: 2, 400, 128>}, {transform_indices = @transform_1, window_bounds = array<i64: 2, 400, 128>}, {transform_indices = @transform_2, window_bounds = array<i64: 400, 128>}, {pipeline_mode = #tpu.pipeline_mode<synchronous>, transform_indices = @transform_3, window_bounds = array<i64: 128, 128>}, {pipeline_mode = #tpu.pipeline_mode<synchronous>, transform_indices = @transform_4, window_bounds = array<i64: 1, 128>}, {pipeline_mode = #tpu.pipeline_mode<synchronous>, transform_indices = @transform_5, window_bounds = array<i64: 128, 128>}, {pipeline_mode = #tpu.pipeline_mode<synchronous>, transform_indices = @transform_6, window_bounds = array<i64: 128, 128>}, {pipeline_mode = #tpu.pipeline_mode<synchronous>, transform_indices = @transform_7, window_bounds = array<i64: 1, 128>}, {transform_indices = @transform_8, window_bounds = array<i64: 400, 128>}]} {
    %get3A = arith.constant 0 : index
    %get3A_0 = arith.constant 0 : index
    %get3A_1 = arith.constant 0 : index
    %get3A_2 = vector.load %arg1[%get3A, %get3A_0, %get3A_1] : memref<2x400x128xf32, #tpu.memory_space<vmem>>, vector<1x400x128xf32>
    %get3A_3 = vector.shape_cast %get3A_2 : vector<1x400x128xf32> to vector<400x128xf32>
    %get3A_4 = arith.constant 1 : index
    %get3A_5 = arith.constant 0 : index
    %get3A_6 = arith.constant 0 : index
    %get3A_7 = vector.load %arg1[%get3A_4, %get3A_5, %get3A_6] : memref<2x400x128xf32, #tpu.memory_space<vmem>>, vector<1x400x128xf32>
    %get3A_8 = vector.shape_cast %get3A_7 : vector<1x400x128xf32> to vector<400x128xf32>
    %add3A = arith.addf %get3A_3, %get3A_8 : vector<400x128xf32>
    %get3A_9 = arith.constant 0 : index
    %get3A_10 = arith.constant 0 : index
    %get3A_11 = arith.constant 0 : index
    %get3A_12 = vector.load %arg2[%get3A_9, %get3A_10, %get3A_11] : memref<2x400x128xf32, #tpu.memory_space<vmem>>, vector<1x400x1xf32>
    %get3A_13 = vector.shape_cast %get3A_12 : vector<1x400x1xf32> to vector<400x1xf32>
    %get3A_14 = arith.constant 1 : index
    %get3A_15 = arith.constant 0 : index
    %get3A_16 = arith.constant 0 : index
    %get3A_17 = vector.load %arg2[%get3A_14, %get3A_15, %get3A_16] : memref<2x400x128xf32, #tpu.memory_space<vmem>>, vector<1x400x1xf32>
    %get3A_18 = vector.shape_cast %get3A_17 : vector<1x400x1xf32> to vector<400x1xf32>
    %add3A_19 = arith.addf %get3A_13, %get3A_18 : vector<400x1xf32>
    %max3A = arith.constant 1.000000e+00 : f32
    %max3A_20 = vector.broadcast %max3A : f32 to vector<400x1xf32>
    %max3A_21 = arith.maximumf %add3A_19, %max3A_20 : vector<400x1xf32>
    %div3A = vector.broadcast %max3A_21 : vector<400x1xf32> to vector<400x128xf32>
    %div3A_22 = arith.divf %add3A, %div3A : vector<400x128xf32>
    %get3A_23 = arith.constant 0 : index
    %get3A_24 = arith.constant 0 : index
    %get3A_25 = vector.load %arg4[%get3A_23, %get3A_24] : memref<128x128xf32, #tpu.memory_space<vmem>>, vector<128x128xf32>
    %dot_general3A = arith.constant dense<0.000000e+00> : vector<400x128xf32>
    %dot_general3A_26 = tpu.matmul %div3A_22, %get3A_25, %dot_general3A {dimension_numbers = #tpu.dot_dimension_numbers<[1], [0], [0], [1], [0, 0, 1, 1], [], []>, transpose_lhs_hint = false} : vector<400x128xf32>, vector<128x128xf32>, vector<400x128xf32> -> vector<400x128xf32>
    %get3A_27 = arith.constant 0 : index
    %get3A_28 = arith.constant 0 : index
    %get3A_29 = vector.load %arg5[%get3A_27, %get3A_28] : memref<1x128xf32, #tpu.memory_space<vmem>>, vector<1x128xf32>
    %add3A_30 = vector.broadcast %get3A_29 : vector<1x128xf32> to vector<400x128xf32>
    %add3A_31 = arith.addf %dot_general3A_26, %add3A_30 : vector<400x128xf32>
    %get3A_32 = arith.constant 0 : index
    %get3A_33 = arith.constant 0 : index
    %get3A_34 = vector.load %arg3[%get3A_32, %get3A_33] : memref<400x128xf32, #tpu.memory_space<vmem>>, vector<400x128xf32>
    %get3A_35 = arith.constant 0 : index
    %get3A_36 = arith.constant 0 : index
    %get3A_37 = vector.load %arg6[%get3A_35, %get3A_36] : memref<128x128xf32, #tpu.memory_space<vmem>>, vector<128x128xf32>
    %dot_general3A_38 = arith.constant dense<0.000000e+00> : vector<400x128xf32>
    %dot_general3A_39 = tpu.matmul %get3A_34, %get3A_37, %dot_general3A_38 {dimension_numbers = #tpu.dot_dimension_numbers<[1], [0], [0], [1], [0, 0, 1, 1], [], []>, transpose_lhs_hint = false} : vector<400x128xf32>, vector<128x128xf32>, vector<400x128xf32> -> vector<400x128xf32>
    %add3A_40 = arith.addf %add3A_31, %dot_general3A_39 : vector<400x128xf32>
    %max3A_41 = arith.constant 0.000000e+00 : f32
    %max3A_42 = vector.broadcast %max3A_41 : f32 to vector<400x128xf32>
    %max3A_43 = arith.maximumf %add3A_40, %max3A_42 : vector<400x128xf32>
    %get3A_44 = arith.constant 0 : index
    %get3A_45 = arith.constant 0 : index
    %get3A_46 = vector.load %arg7[%get3A_44, %get3A_45] : memref<128x128xf32, #tpu.memory_space<vmem>>, vector<128x128xf32>
    %dot_general3A_47 = arith.constant dense<0.000000e+00> : vector<400x128xf32>
    %dot_general3A_48 = tpu.matmul %max3A_43, %get3A_46, %dot_general3A_47 {dimension_numbers = #tpu.dot_dimension_numbers<[1], [0], [0], [1], [0, 0, 1, 1], [], []>, transpose_lhs_hint = false} : vector<400x128xf32>, vector<128x128xf32>, vector<400x128xf32> -> vector<400x128xf32>
    %get3A_49 = arith.constant 0 : index
    %get3A_50 = arith.constant 0 : index
    %get3A_51 = vector.load %arg8[%get3A_49, %get3A_50] : memref<1x128xf32, #tpu.memory_space<vmem>>, vector<1x128xf32>
    %add3A_52 = vector.broadcast %get3A_51 : vector<1x128xf32> to vector<400x128xf32>
    %add3A_53 = arith.addf %dot_general3A_48, %add3A_52 : vector<400x128xf32>
    %swap3A = arith.constant 0 : index
    %swap3A_54 = arith.constant 0 : index
    %swap3A_55 = vector.load %arg9[%swap3A, %swap3A_54] : memref<400x128xf32, #tpu.memory_space<vmem>>, vector<400x128xf32>
    tpu.vector_store %arg9[%swap3A, %swap3A_54], %add3A_53 {strides = array<i32>} : memref<400x128xf32, #tpu.memory_space<vmem>>, vector<400x128xf32>,
    return
  }
  func.func @transform_0(%arg0: i32) -> (i32, i32, i32) {
    %c0_i32 = arith.constant 0 : i32
    %c0_i32_0 = arith.constant 0 : i32
    %c0_i32_1 = arith.constant 0 : i32
    return %c0_i32, %arg0, %c0_i32_0 : i32, i32, i32
  }
  func.func @transform_1(%arg0: i32) -> (i32, i32, i32) {
    %c0_i32 = arith.constant 0 : i32
    %c0_i32_0 = arith.constant 0 : i32
    %c0_i32_1 = arith.constant 0 : i32
    return %c0_i32, %arg0, %c0_i32_0 : i32, i32, i32
  }
  func.func @transform_2(%arg0: i32) -> (i32, i32) {
    %c0_i32 = arith.constant 0 : i32
    %c0_i32_0 = arith.constant 0 : i32
    return %arg0, %c0_i32 : i32, i32
  }
  func.func @transform_3(%arg0: i32) -> (i32, i32) {
    %c0_i32 = arith.constant 0 : i32
    %c0_i32_0 = arith.constant 0 : i32
    %c0_i32_1 = arith.constant 0 : i32
    return %c0_i32, %c0_i32_0 : i32, i32
  }
  func.func @transform_4(%arg0: i32) -> (i32, i32) {
    %c0_i32 = arith.constant 0 : i32
    %c0_i32_0 = arith.constant 0 : i32
    %c0_i32_1 = arith.constant 0 : i32
    return %c0_i32, %c0_i32_0 : i32, i32
  }
  func.func @transform_5(%arg0: i32) -> (i32, i32) {
    %c0_i32 = arith.constant 0 : i32
    %c0_i32_0 = arith.constant 0 : i32
    %c0_i32_1 = arith.constant 0 : i32
    return %c0_i32, %c0_i32_0 : i32, i32
  }
  func.func @transform_6(%arg0: i32) -> (i32, i32) {
    %c0_i32 = arith.constant 0 : i32
    %c0_i32_0 = arith.constant 0 : i32
    %c0_i32_1 = arith.constant 0 : i32
    return %c0_i32, %c0_i32_0 : i32, i32
  }
  func.func @transform_7(%arg0: i32) -> (i32, i32) {
    %c0_i32 = arith.constant 0 : i32
    %c0_i32_0 = arith.constant 0 : i32
    %c0_i32_1 = arith.constant 0 : i32
    return %c0_i32, %c0_i32_0 : i32, i32
  }
  func.func @transform_8(%arg0: i32) -> (i32, i32) {
    %c0_i32 = arith.constant 0 : i32
    %c0_i32_0 = arith.constant 0 : i32
    return %arg0, %c0_i32 : i32, i32
  }
}

</mosaic_0001>

<sc_bundles>
// kernel: kernel.10.cloned.1.call-start
scs
__scs_entry_jumppad:
0x0: {  	(pc) =	sbr.rel $0x88, $3  }
0x1: {  	(tag) =	ssettag $0x0;
	lr =	simm.s32 $0x1  }
0x2: {  	[smem:$0x3F97] =	sst lr;
	_ =	strace $0xD0000000  }
0x3: {  	_ = 	snop  }
0x4: {  	_ = 	snop  }
0x5: {  	_ = 	snop  }
0x6: {  	_ = 	snop  }
0x7: {  	_ = 	snop  }
__scs_overlays_trampoline_lowered:
0x8: {  	[smem:$0x3FA6] =	sst s0  }
0x9: {  	[smem:$0x3FA7] =	sst s1  }
0xa: {  	[smem:$0x3FA8] =	sst s2  }
0xb: {  	[smem:$0x3FA9] =	sst s3  }
0xc: {  	[smem:$0x3FAA] =	sst s4  }
0xd: {  	[smem:$0x3FAB] =	sst s5  }
0xe: {  	[smem:$0x3FAC] =	sst s6  }
0xf: {  	[smem:$0x3FAD] =	sst s7  }
0x10: {  	[smem:$0x3FAE] =	sst s8  }
0x11: {  	[smem:$0x3FAF] =	sst s9;
	s0 =	simm.s32 @!p0 $0x0  }
0x12: {  	s1 =	sld [smem:$0x3F95];
	s0 =	simm.s32 @p0 $0x1  }
0x13: {  	[smem:$0x3FB0] =	sst s0;
	s0 =	simm.s32 @!p1 $0x0  }
0x14: {  	s2 =	sld [smem:$0x3F94];
	s0 =	simm.s32 @p1 $0x1  }
0x15: {  	[smem:$0x3FB1] =	sst s0;
	s0 =	simm.s32 @!p2 $0x0  }
0x16: {  	s3 =	sld [smem:$0x3FDB];
	s0 =	simm.s32 @p2 $0x1  }
0x17: {  	s4 =	simm.s32 $0x1BF5;
	[smem:$0x3FB3] =	sst s0  }
0x18: {  	s0 =	sld [smem:$0x3F96];
	_ =	swait.ge [sflag:s4], $0x0  }
0x19: {  	s7 =	sld [smem:$0x3F97]  }
0x1a: {  	s8 =	sadd.s32 $0xFFFFE003, lr  }
0x1b: {  	s9 =	sadd.s32 $0xFFFFFEF7, lr;
	s5 =	simm.s32 $0xFFFFFFFF;
	p2 =	slt.u32 s8, $0xFFFFF086  }
0x1c: {  	p1 =	slt.u32 s9, $0xF7A;
	s5 =	simm.s32 @!p2 $0x0  }
0x1d: {  	s5 =	simm.s32 @p1 $0x1;
	p0 =	seq.s32 s7, s2  }
0x1e: {  	s7 =	smul.u32 @!p0 $0xF7A, s2;
	p2 =	seq.s32 @!p0 s5, $0x0  }
0x1f: {  	s9 =	smul.u32 $0xF7A, s1;
	s8 =	simm.s32 @!p0 $0x1BF5;
	p2 =	por !p2, p0  }
0x20: {  	[sflag:s8] =	ssyncset.s32 @!p0 $0xFFFFF086;
	s6 =	sadd.s32 @!p0 s3, s7;
	s7 =	simm.s32 @!p0 $0x108  }
0x21: {  	s3 =	sadd.s32 s3, s9;
	s6 =	sadd.s32 @!p0 $0x88, s6;
	s7 =	simm.s32 @p2 $0x1082  }
0x22: {  	[simem:s7], [sflag:s8] =	dma.local @!p0 [hbm:s6], $0xF7A  }
0x23: {  	s9 =	sor.u32 $0xD0000000, s2;
	s6 =	simm.s32 $0x108;
	_ =	swait.ge @!p0 [sflag:s8], $0x0  }
0x24: {  	s3 =	sadd.s32 $0x88, s3;
	s6 =	simm.s32 @!p1 $0x1082;
	[sflag:s4] =	ssyncset.s32 $0xFFFFF086  }
0x25: {  	[simem:s6], [sflag:s4] =	dma.local [hbm:s3], $0xF7A  }
0x26: {  	[smem:$0x3F97] =	sst s1;
	(tag) =	ssettag s2;
	_ =	strace s9  }
0x27: {  	s1 =	sld [smem:$0x3FA7]  }
0x28: {  	s2 =	sld [smem:$0x3FA8]  }
0x29: {  	s4 =	sld [smem:$0x3FAA]  }
0x2a: {  	p0 =	seq.s32 s5, $0x0;
	s5 =	sld [smem:$0x3FAB]  }
0x2b: {  	s6 =	sld [smem:$0x3FAC]  }
0x2c: {  	s7 =	sld [smem:$0x3FAD]  }
0x2d: {  	s3 =	simm.s32 $0x108;
	s8 =	sld [smem:$0x3FAE]  }
0x2e: {  	s3 =	simm.s32 @!p0 $0x1082;
	s9 =	sld [smem:$0x3FAF]  }
0x2f: {  	lr =	sadd.s32 s0, s3;
	s0 =	sld [smem:$0x3FA6]  }
0x30: {  	s3 =	sld [smem:$0x3FA9]  }
0x31: {  	[smem:$0x3FB2] =	sst s10  }
0x32: {  	s10 =	sld [smem:$0x3FB0];
	_ =	sdelay $0x3  }
0x33: {  	p0 =	seq.s32 s10, $0x1;
	s10 =	sld [smem:$0x3FB2];
	_ =	sdelay $0x3  }
0x34: {  	[smem:$0x3FB2] =	sst s10  }
0x35: {  	s10 =	sld [smem:$0x3FB1];
	_ =	sdelay $0x3  }
0x36: {  	p1 =	seq.s32 s10, $0x1;
	s10 =	sld [smem:$0x3FB2];
	_ =	sdelay $0x3  }
0x37: {  	[smem:$0x3FB2] =	sst s10  }
0x38: {  	s10 =	sld [smem:$0x3FB3]  }
0x39: {  	_ = 	snop;
	(pc) =	sbr.ind lr, $3  }
0x3a: {  	_ = 	snop  }
0x3b: {  	_ = 	snop  }
0x3c: {  	p2 =	seq.s32 s10, $0x1;
	s10 =	sld [smem:$0x3FB2]  }
0x3d: {  	_ =	shalt  }
0x3e: {  	_ =	shalt  }
0x3f: {  	_ =	shalt  }
0x40: {  	_ =	shalt  }
0x41: {  	_ =	shalt  }
0x42: {  	_ =	shalt  }
0x43: {  	_ =	shalt  }
0x44: {  	_ =	shalt  }
0x45: {  	_ =	shalt  }
0x46: {  	_ =	shalt  }
0x47: {  	_ =	shalt  }
0x48: {  	_ =	shalt  }
0x49: {  	_ =	shalt  }
0x4a: {  	_ =	shalt  }
0x4b: {  	_ =	shalt  }
0x4c: {  	_ =	shalt  }
0x4d: {  	_ =	shalt  }
0x4e: {  	_ =	shalt  }
0x4f: {  	_ =	shalt  }
0x50: {  	_ =	shalt  }
0x51: {  	_ =	shalt  }
0x52: {  	_ =	shalt  }
0x53: {  	_ =	shalt  }
0x54: {  	_ =	shalt  }
0x55: {  	_ =	shalt  }
0x56: {  	_ =	shalt  }
0x57: {  	_ =	shalt  }
0x58: {  	_ =	shalt  }
0x59: {  	_ =	shalt  }
0x5a: {  	_ =	shalt  }
0x5b: {  	_ =	shalt  }
0x5c: {  	_ =	shalt  }
0x5d: {  	_ =	shalt  }
0x5e: {  	_ =	shalt  }
0x5f: {  	_ =	shalt  }
0x60: {  	_ =	shalt  }
0x61: {  	_ =	shalt  }
0x62: {  	_ =	shalt  }
0x63: {  	_ =	shalt  }
0x64: {  	_ =	shalt  }
0x65: {  	_ =	shalt  }
0x66: {  	_ =	shalt  }
0x67: {  	_ =	shalt  }
0x68: {  	_ =	shalt  }
0x69: {  	_ =	shalt  }
0x6a: {  	_ =	shalt  }
0x6b: {  	_ =	shalt  }
0x6c: {  	_ =	shalt  }
0x6d: {  	_ =	shalt  }
0x6e: {  	_ =	shalt  }
0x6f: {  	_ =	shalt  }
0x70: {  	_ =	shalt  }
0x71: {  	_ =	shalt  }
0x72: {  	_ =	shalt  }
0x73: {  	_ =	shalt  }
0x74: {  	_ =	shalt  }
0x75: {  	_ =	shalt  }
0x76: {  	_ =	shalt  }
0x77: {  	_ =	shalt  }
0x78: {  	_ =	shalt  }
0x79: {  	_ =	shalt  }
0x7a: {  	_ =	shalt  }
0x7b: {  	_ =	shalt  }
0x7c: {  	_ =	shalt  }
0x7d: {  	_ =	shalt  }
0x7e: {  	_ =	shalt  }
0x7f: {  	_ =	shalt  }
0x80: {  	_ =	shalt  }
0x81: {  	_ =	shalt  }
0x82: {  	_ =	shalt  }
0x83: {  	_ =	shalt  }
0x84: {  	_ =	shalt  }
0x85: {  	_ =	shalt  }
0x86: {  	_ =	shalt  }
0x87: {  	_ =	shalt  }
.Lfunc_end0:
.L_simem_size_0:
called_computation.1_lowered:
.L_overlay_start_0:
0x88: {  	s2 =	sld [smem:$0x3FD9]  }
0x89: {  	s3 =	sld [smem:$0x3FFE];
	_ =	sdelay $0x1  }
0x8a: {  	s1 =	srdreg.scid  }
0x8b: {  	s0 =	sand.u32 $0x1, s1  }
0x8c: {  	s17 =	sshll.u32 s0, $0xA;
	s2 =	sadd.s32 s3, s2  }
0x8d: {  	s2 =	sadd.s32 s2, s17  }
0x8e: {  	[smem:$0x3FBE] =	sst s2  }
0x8f: {  	_ = 	snop  }
0x90: {  	s18 =	sld [smem:$0x3FC9];
	(tm) =	ssettm $0x1  }
0x91: {  	s19 =	sld [smem:$0x3FFB];
	_ =	sdelay $0x3  }
0x92: {  	_ =	strace s19  }
0x93: {  	s2 =	sld [smem:$0x3FFC];
	_ =	sdelay $0x3  }
0x94: {  	_ =	strace s2  }
0x95: {  	s2 =	sld [smem:$0x3FFD];
	_ =	sdelay $0x3  }
0x96: {  	_ =	strace s2  }
0x97: {  	_ =	strace $0x8FFFFFFF  }
0x98: {  	s20 =	sld [smem:$0x3FDB];
	_ =	sdelay $0x1  }
0x99: {  	s4 =	simm.s32 $_scs_section_size  }
0x9a: {  	s5 =	simm.s32 $_size__tile_overlayer_lowered;
	s6 =	simm.s32 $_tile_overlayer_lowered  }
0x9b: {  	s7 =	simm.s32 $0x1BFF;
	s21 =	sshll.u32 s6, $0x1;
	s4 =	sadd.s32 s4, s20  }
0x9c: {  	s22 =	simm.s32 $0x0;
	s5 =	sshll.u32 s5, $0x1;
	s6 =	sadd.s32 s21, s4  }
0x9d: {  	[timem:s22], [sflag:s7] =	dma.local [hbm:s6], s5  }
0x9e: {  	_ =	swait.ge [sflag:s7], s5  }
0x9f: {  	s5 =	ssub.s32 $0x0, s5;
	[sflag:s7] =	ssyncset.done $0x0  }
0xa0: {  	[sflag:s7] =	ssyncadd.s32 s5;
	_ =	sdelay $0x1  }
0xa1: {  	s23 =	simm.s32 $0x1B8B  }
0xa2: {  	_ =	swait.ge [sflag:s23], $0x1  }
0xa3: {  	[sflag:s23] =	ssyncset.done $0x0  }
0xa4: {  	[sflag:s23] =	ssyncadd.s32 $0xFFFFFFFF  }
0xa5: {  	s5 =	sld [smem:$0x0]  }
0xa6: {  	s6 =	sand.u32 $0xFFFFFFFE, s1  }
0xa7: {  	p0 =	sne.s32 s1, s6  }
0xa8: {  	s6 =	sshll.u32 @p0 s6, $0xE  }
0xa9: {  	s6 =	sadd.s32 @p0 $0x11B8D, s6;
	s7 =	sshll.u32 @p0 s5, $0x11  }
0xaa: {  	s6 =	sor.u32 @p0 s7, s6  }
0xab: {  	[sflag:s6] =	ssyncadd.remote.s32 @p0 $0x1;
	_ =	sdelay $0x1  }
0xac: {  	s6 =	simm.s32 @p0 $0x1B8D  }
0xad: {  	_ =	swait.eq @p0 [sflag:s6], $0x1  }
0xae: {  	[sflag:s6] =	ssyncadd.s32 @p0 $0xFFFFFFFF  }
0xaf: {  	s7 =	sshll.u32 @!p0 s1, $0xE  }
0xb0: {  	s7 =	sor.u32 @!p0 $0x4000, s7;
	s6 =	simm.s32 @!p0 $0x1B8D  }
0xb1: {  	s5 =	sshll.u32 @!p0 s5, $0x11;
	s7 =	sadd.s32 @!p0 $0x11B8D, s7;
	_ =	swait.eq @!p0 [sflag:s6], $0x1  }
0xb2: {  	s5 =	sor.u32 @!p0 s5, s7;
	[sflag:s6] =	ssyncadd.s32 @!p0 $0xFFFFFFFF  }
0xb3: {  	s25 =	simm.s32 $0x1B8E;
	s24 =	sld [smem:$0x3FFE];
	[sflag:s5] =	ssyncadd.remote.s32 @!p0 $0x1  }
0xb4: {  	s26 =	simm.s32 $execute0_lowered;
	[smem:$0x3FD2] =	sst s25  }
0xb5: {  	s6 =	sshll.u32 s26, $0x1;
	_ =	strace $0x80000049;
	[dreg:$0x1] =	wrdreg $0xFFFFFFFF  }
0xb6: {  	s28 =	simm.s32 $_size_execute0_lowered;
	s4 =	sadd.s32 s4, s6;
	[dreg:$0x0] =	wrdreg $0x0  }
0xb7: {  	s6 =	sshll.u32 s28, $0x1;
	[dreg:$0x2] =	wrdreg s4  }
0xb8: {  	[dreg:$0x3] =	wrdreg s6  }
0xb9: {  	[dreg:$0x4] =	wrdreg $0xC0  }
0xba: {  	_ =	task [dreg:s22], $0x5FFFF  }
0xbb: {  	[dreg:$0x1] =	wrdreg $0xFFFFFFFF  }
0xbc: {  	[dreg:$0x0] =	wrdreg $0x60  }
0xbd: {  	[dreg:$0x2] =	wrdreg s18  }
0xbe: {  	[dreg:$0x3] =	wrdreg s24  }
0xbf: {  	[dreg:$0x4] =	wrdreg $0x52000  }
0xc0: {  	[dreg:$0x5] =	wrdreg $0xA  }
0xc1: {  	_ =	task.clear_ibuf [dreg:s22], $0x6FFFF;
	_ =	strace $0x90000049  }
0xc2: {  	s29 =	simm.s32 $0xA;
	_ =	strace $0x8000004B  }
0xc3: {  	_ =	swait.ge [sflag:s29], $0x1  }
0xc4: {  	[sflag:s29] =	ssyncadd.s32 $0xFFFFFFFF  }
0xc5: {  	_ =	strace $0x9000004B  }
0xc6: {  	_ =	sfence  }
0xc7: {  	s30 =	sld [smem:$0x0];
	_ =	sdelay $0x2  }
0xc8: {  	s31 =	sshll.u32 s1, $0xD;
	s1 =	sshrl.u32 s1, $0x2  }
0xc9: {  	s4 =	sand.u32 $0x4000, s31;
	s1 =	sadd.s32 s1, s30  }
0xca: {  	s0 =	sor.u32 s4, s0;
	s1 =	sshll.u32 s1, $0x11  }
0xcb: {  	s0 =	sor.u32 s1, s0  }
0xcc: {  	s0 =	sadd.s32 $0x8F2B, s0  }
0xcd: {  	[sflag:s0] =	ssyncadd.remote.s32 $0x1  }
0xce: {  	_ =	sfence.sel $0xFFFF  }
0xcf: {  	[dreg:$0x0] =	wrdreg $0xFFFFFFFF;
	(pc) =	sbr.abs _section_cstart, $3  }
0xd0: {  	[dreg:$0x1] =	wrdreg $0xFFFFFFFF  }
0xd1: {  	_ =	task.clear_ibuf [dreg:s22], $0x2FFFF;
	_ =	strace $0x9FFFFFFF  }
0xd2: {  	(tm) =	ssettm $0x7FFFFFFF  }
0xd3: {  	_ =	shalt  }
tec
execute0_lowered:
.L_overlay_start_1:
0x0: {  	(tag) =	ssettag $0x1  }
0x1: {  	s2 =	rddreg [dreg:$0x0]  }
0x2: {  	s5 =	rddreg [dreg:$0x1]  }
0x3: {  	s3 =	rddreg [dreg:$0x2]  }
0x4: {  	s0 =	rddreg [dreg:$0x3];
	s1 =	stileid.u32  }
0x5: {  	s6 =	srdreg.scid;
	s4 =	simm.s32 $0x0;
	s16 =	simm.s32 $0x200  }
0x6: {  	s17 =	simm.s32 $0x1;
	s18 =	simm.s32 $0x80;
	s19 =	simm.s32 $0x100  }
0x7: {  	s20 =	simm.s32 $0x2A00;
	s21 =	simm.s32 $0x2;
	s7 =	smul.u32 $0x14000, s1  }
0x8: {  	s22 =	simm.s32 $0x180;
	s9 =	sand.u32 $0x1, s6;
	s10 =	smul.u32 $0x50000, s1  }
0x9: {  	[smem:$0x7FF] =	sst s4;
	s11 =	sadd.s32 $0x2400, s5;
	s15 =	smul.u32 $0x1F40, s1  }
0xa: {  	s25 =	sshll.u32 s1, $0x1;
	s28 =	sshll.u32 s1, $0x6;
	s6 =	smul.u32 $0x140000, s9  }
0xb: {  	_ =	strace $0x8000004A;
	s23 =	ssub.s32 $0x2, s9;
	s30 =	smul.u32 $0xFA0, s9  }
0xc: {  	s8 =	sshrl.u32 s7, $0x3;
	s24 =	sshrl.u32 s23, $0x1;
	s26 =	sshrl.u32 s10, $0x2  }
0xd: {  	s31 =	sadd.s32 s15, s11;
	s15 =	simm.s32 $0x50;
	s8 =	sadd.s32 s8, s5  }
0xe: {  	s6 =	sadd.s32 s7, s6;
	s13 =	ssub.s32 s23, s24;
	s14 =	sadd.s32 s26, s3  }
0xf: {  	s23 =	simm.s32 $0x4;
	s24 =	simm.s32 $0x3;
	s6 =	sshrl.u32 s6, $0x3  }
.Ltmp0:
0x10: {  	s12 =	sadd.s32 s6, s5;
	s6 =	sor.u32 s9, s25;
	(pc) =	sbr.rel .LBB2_1-.Ltmp0, $4  }
0x11: {  	s5 =	sadd.s32 $0x21800, s8;
	s9 =	smax.u32 s13, $0x1;
	s29 =	smul.u32 $0xFA0, s6  }
0x12: {  	s13 =	sshrl.u32 s14, $0x3;
	s14 =	simm.s32 $0x5;
	s25 =	simm.s32 $0x0  }
0x13: {  	s6 =	sor.u32 $0x1C05, s28;
	s8 =	sadd.s32 $0x99800, s12;
	s7 =	sadd.s32 s11, s29  }
0x14: {  	s12 =	sadd.s32 s30, s31;
	s10 =	sadd.s32 $0x20, s7;
	s11 =	sadd.s32 $0x40, s7  }
.LBB2_6:
0x15: {  	_ =	swait.ge [sflag:s24], $0x2800  }
0x16: {  	s25 =	sadd.s32 $0x1, s25;
	[sflag:s24] =	ssyncset.done $0x0  }
0x17: {  	p0 =	sne.s32 s25, s9;
	[sflag:s24] =	ssyncadd.s32 $0xFFFFD800  }
.Ltmp1:
0x18: {  	[bflag:$0x0] =	sbarrier.arrive $0xFFFF;
	(pc) =	sbr.rel @!p0 .LBB2_7-.Ltmp1, $4  }
0x19: {  	[hbm:s8], [sflag:s6] =	dma.local [spmem:s13], $0x2800  }
0x1a: {  	_ =	swait.ge [sflag:s14], $0x2800  }
0x1b: {  	[sflag:s14] =	ssyncset.done $0x0  }
0x1c: {  	[sflag:s14] =	ssyncadd.s32 $0xFFFFD800  }
.LBB2_1:
0x1d: {  	[spmem:s13], [sflag:s6] =	dma.local [hbm:s5], $0x2800  }
0x1e: {  	_ =	swait.ge [sflag:s14], $0x2800  }
0x1f: {  	[sflag:s14] =	ssyncset.done $0x0  }
0x20: {  	[sflag:s14] =	ssyncadd.s32 $0xFFFFD800  }
0x21: {  	[bflag:$0x0] =	sbarrier.arrive $0xFFFF  }
0x22: {  	[tilespmem:s4], [sflag:$0x5] =	stream.linear.gather [hbm4b:s7+s4], $0x100, $0x38;
	[tilespmem:$0x19200] =	vst v63  }
0x23: {  	_ =	swait.ge [sflag:s14], $0x100  }
0x24: {  	[sflag:s14] =	ssyncset.done $0x0  }
0x25: {  	[sflag:s14] =	ssyncadd.s32 $0xFFFFFF00  }
0x26: {  	[tilespmem:s16], [sflag:$0x1] =	stream.indirect.gather [hbm4b:s2+s15], $0x80, s4, s15, $0xb8;
	[tilespmem:$0x19200] =	vst v63  }
0x27: {  	_ =	swait.ge [sflag:s17], $0x2800  }
0x28: {  	[sflag:s17] =	ssyncset.done $0x0  }
0x29: {  	[sflag:s17] =	ssyncadd.s32 $0xFFFFD800  }
0x2a: {  	[spmem:s3] =	stream.indirect.scatter.add.f32 [tilespmem:s16], [sflag:$0x3], $0x80, s18, s15, $0xb8;
	[tilespmem:$0x19200] =	vst v63  }
0x2b: {  	_ = 	snop  }
0x2c: {  	[tilespmem:s19], [sflag:$0x5] =	stream.linear.gather [hbm4b:s10+s4], $0x100, $0x38;
	[tilespmem:$0x19200] =	vst v63  }
0x2d: {  	_ =	swait.ge [sflag:s14], $0x100  }
0x2e: {  	[sflag:s14] =	ssyncset.done $0x0  }
0x2f: {  	[sflag:s14] =	ssyncadd.s32 $0xFFFFFF00  }
0x30: {  	[tilespmem:s20], [sflag:$0x2] =	stream.indirect.gather [hbm4b:s2+s15], $0x80, s19, s15, $0xb8;
	[tilespmem:$0x19200] =	vst v63  }
0x31: {  	_ =	swait.ge [sflag:s21], $0x2800  }
0x32: {  	[sflag:s21] =	ssyncset.done $0x0  }
0x33: {  	[sflag:s21] =	ssyncadd.s32 $0xFFFFD800  }
0x34: {  	_ =	swait.ge [sflag:s24], $0x2800  }
0x35: {  	[sflag:s24] =	ssyncset.done $0x0  }
0x36: {  	[sflag:s24] =	ssyncadd.s32 $0xFFFFD800  }
0x37: {  	[spmem:s3] =	stream.indirect.scatter.add.f32 [tilespmem:s20], [sflag:$0x4], $0x80, s22, s15, $0xb8;
	[tilespmem:$0x19200] =	vst v63  }
0x38: {  	_ = 	snop  }
0x39: {  	[tilespmem:s4], [sflag:$0x5] =	stream.linear.gather [hbm4b:s11+s4], $0x100, $0x38;
	[tilespmem:$0x19200] =	vst v63  }
.Ltmp2:
0x3a: {  	_ = 	snop;
	(pc) =	sbr.rel .LBB2_2-.Ltmp2, $4  }
0x3b: {  	_ =	swait.ge [sflag:s14], $0x100  }
0x3c: {  	[sflag:s14] =	ssyncset.done $0x0  }
0x3d: {  	s26 =	simm.s32 $0x3;
	s28 =	simm.s32 $0x0;
	[sflag:s14] =	ssyncadd.s32 $0xFFFFFF00  }
0x3e: {  	[tilespmem:s16], [sflag:$0x1] =	stream.indirect.gather [hbm4b:s2+s15], $0x80, s4, s15, $0xb8;
	[tilespmem:$0x19200] =	vst v63  }
.LBB2_5:
0x3f: {  	s28 =	sadd.s32 $0x40, s28  }
0x40: {  	p0 =	sne.s32 s28, $0xF80  }
.Ltmp3:
0x41: {  	_ = 	snop;
	(pc) =	sbr.rel @!p0 .LBB2_6-.Ltmp3, $2  }
0x42: {  	_ =	sdelay $0x2  }
0x43: {  	s26 =	sadd.s32 $0x2, s26  }
.LBB2_2:
0x44: {  	_ =	swait.ge [sflag:s17], $0x2800  }
0x45: {  	p0 =	sgt.u32 s26, $0x7C;
	[sflag:s17] =	ssyncset.done $0x0  }
.Ltmp4:
0x46: {  	[sflag:s17] =	ssyncadd.s32 $0xFFFFD800;
	(pc) =	sbr.rel @p0 .LBB2_5-.Ltmp4, $4  }
0x47: {  	_ =	swait.ge [sflag:s23], $0x2800  }
0x48: {  	[sflag:s23] =	ssyncset.done $0x0  }
0x49: {  	[sflag:s23] =	ssyncadd.s32 $0xFFFFD800  }
0x4a: {  	[spmem:s3] =	stream.indirect.scatter.add.f32 [tilespmem:s16], [sflag:$0x3], $0x80, s18, s15, $0xb8;
	[tilespmem:$0x19200] =	vst v63  }
0x4b: {  	s29 =	sadd.s32 s28, s12  }
0x4c: {  	s30 =	sadd.s32 $0x60, s29  }
0x4d: {  	[tilespmem:s19], [sflag:$0x5] =	stream.linear.gather [hbm4b:s30+s4], $0x100, $0x38;
	[tilespmem:$0x19200] =	vst v63  }
0x4e: {  	_ =	swait.ge [sflag:s14], $0x100  }
0x4f: {  	[sflag:s14] =	ssyncset.done $0x0  }
0x50: {  	[sflag:s14] =	ssyncadd.s32 $0xFFFFFF00  }
0x51: {  	[tilespmem:s20], [sflag:$0x2] =	stream.indirect.gather [hbm4b:s2+s15], $0x80, s19, s15, $0xb8;
	[tilespmem:$0x19200] =	vst v63  }
0x52: {  	_ =	swait.ge [sflag:s21], $0x2800  }
0x53: {  	p0 =	seq.s32 s28, $0xF40;
	[sflag:s21] =	ssyncset.done $0x0  }
.Ltmp5:
0x54: {  	[sflag:s21] =	ssyncadd.s32 $0xFFFFD800;
	(pc) =	sbr.rel @p0 .LBB2_6-.Ltmp5, $4  }
0x55: {  	_ =	swait.ge [sflag:s24], $0x2800  }
0x56: {  	[sflag:s24] =	ssyncset.done $0x0  }
0x57: {  	[sflag:s24] =	ssyncadd.s32 $0xFFFFD800  }
0x58: {  	[spmem:s3] =	stream.indirect.scatter.add.f32 [tilespmem:s20], [sflag:$0x4], $0x80, s22, s15, $0xb8;
	[tilespmem:$0x19200] =	vst v63  }
0x59: {  	s29 =	sadd.s32 $0x80, s29  }
0x5a: {  	[tilespmem:s4], [sflag:$0x5] =	stream.linear.gather [hbm4b:s29+s4], $0x100, $0x38;
	[tilespmem:$0x19200] =	vst v63  }
.Ltmp6:
0x5b: {  	_ = 	snop;
	(pc) =	sbr.rel .LBB2_5-.Ltmp6, $4  }
0x5c: {  	_ =	swait.ge [sflag:s14], $0x100  }
0x5d: {  	[sflag:s14] =	ssyncset.done $0x0  }
0x5e: {  	[sflag:s14] =	ssyncadd.s32 $0xFFFFFF00  }
0x5f: {  	[tilespmem:s16], [sflag:$0x1] =	stream.indirect.gather [hbm4b:s2+s15], $0x80, s4, s15, $0xb8;
	[tilespmem:$0x19200] =	vst v63  }
.LBB2_7:
0x60: {  	_ =	sfence.sel $0x180000  }
0x61: {  	[bflag:$0x0] =	sbarrier.arrive $0xFFFF  }
0x62: {  	p0 =	sne.s32 s1, $0x0;
	_ =	strace $0x9000004A  }
0x63: {  	s0 =	sadd.s32 @!p0 $0x100000, s0;
	[bflag:$0x2] =	sbarrier.arrive $0xFFFF  }
0x64: {  	[sflag:s0] =	ssyncadd.tile.s32 @!p0 $0x1;
	_ =	shalt  }
.Lfunc_end2:
_tile_overlayer_lowered:
.L_overlay_start_2:
0x65: {  	(tag) =	ssettag $0x2  }
0x66: {  	s0 =	rddreg [dreg:$0x0];
	s2 =	stileid.u32  }
0x67: {  	s1 =	rddreg [dreg:$0x1];
	p0 =	sne.s32 s2, $0x0  }
0x68: {  	s3 =	rddreg [dreg:$0x2];
	[bflag:$0x3] =	sbarrier.arrive $0xFFFF;
	s2 =	simm.s32 @!p0 $0x1C05  }
0x69: {  	[timem:s3], [sflag:s2] =	dma.local @!p0 [hbm:s0], s1  }
0x6a: {  	s0 =	simm.s32 @!p0 $0x5  }
0x6b: {  	_ =	swait.ge @!p0 [sflag:s0], s1  }
0x6c: {  	s1 =	ssub.s32 @!p0 $0x0, s1;
	[sflag:s0] =	ssyncset.done @!p0 $0x0  }
0x6d: {  	[sflag:s0] =	ssyncadd.s32 @!p0 s1  }
0x6e: {  	[bflag:$0x3] =	sbarrier.arrive $0xFFFF  }
0x6f: {  	_ =	shalt  }

// kernel: kernel.13.cloned.1.call-start
scs
__scs_entry_jumppad:
0x0: {  	(pc) =	sbr.rel $0x88, $3  }
0x1: {  	(tag) =	ssettag $0x0;
	lr =	simm.s32 $0x1  }
0x2: {  	[smem:$0x3F97] =	sst lr;
	_ =	strace $0xD0000000  }
0x3: {  	_ = 	snop  }
0x4: {  	_ = 	snop  }
0x5: {  	_ = 	snop  }
0x6: {  	_ = 	snop  }
0x7: {  	_ = 	snop  }
__scs_overlays_trampoline_lowered:
0x8: {  	[smem:$0x3FA6] =	sst s0  }
0x9: {  	[smem:$0x3FA7] =	sst s1  }
0xa: {  	[smem:$0x3FA8] =	sst s2  }
0xb: {  	[smem:$0x3FA9] =	sst s3  }
0xc: {  	[smem:$0x3FAA] =	sst s4  }
0xd: {  	[smem:$0x3FAB] =	sst s5  }
0xe: {  	[smem:$0x3FAC] =	sst s6  }
0xf: {  	[smem:$0x3FAD] =	sst s7  }
0x10: {  	[smem:$0x3FAE] =	sst s8  }
0x11: {  	[smem:$0x3FAF] =	sst s9;
	s0 =	simm.s32 @!p0 $0x0  }
0x12: {  	s1 =	sld [smem:$0x3F95];
	s0 =	simm.s32 @p0 $0x1  }
0x13: {  	[smem:$0x3FB0] =	sst s0;
	s0 =	simm.s32 @!p1 $0x0  }
0x14: {  	s2 =	sld [smem:$0x3F94];
	s0 =	simm.s32 @p1 $0x1  }
0x15: {  	[smem:$0x3FB1] =	sst s0;
	s0 =	simm.s32 @!p2 $0x0  }
0x16: {  	s3 =	sld [smem:$0x3FDB];
	s0 =	simm.s32 @p2 $0x1  }
0x17: {  	s4 =	simm.s32 $0x1BF5;
	[smem:$0x3FB3] =	sst s0  }
0x18: {  	s0 =	sld [smem:$0x3F96];
	_ =	swait.ge [sflag:s4], $0x0  }
0x19: {  	s7 =	sld [smem:$0x3F97]  }
0x1a: {  	s8 =	sadd.s32 $0xFFFFE003, lr  }
0x1b: {  	s9 =	sadd.s32 $0xFFFFFEF7, lr;
	s5 =	simm.s32 $0xFFFFFFFF;
	p2 =	slt.u32 s8, $0xFFFFF086  }
0x1c: {  	p1 =	slt.u32 s9, $0xF7A;
	s5 =	simm.s32 @!p2 $0x0  }
0x1d: {  	s5 =	simm.s32 @p1 $0x1;
	p0 =	seq.s32 s7, s2  }
0x1e: {  	s7 =	smul.u32 @!p0 $0xF7A, s2;
	p2 =	seq.s32 @!p0 s5, $0x0  }
0x1f: {  	s9 =	smul.u32 $0xF7A, s1;
	s8 =	simm.s32 @!p0 $0x1BF5;
	p2 =	por !p2, p0  }
0x20: {  	[sflag:s8] =	ssyncset.s32 @!p0 $0xFFFFF086;
	s6 =	sadd.s32 @!p0 s3, s7;
	s7 =	simm.s32 @!p0 $0x108  }
0x21: {  	s3 =	sadd.s32 s3, s9;
	s6 =	sadd.s32 @!p0 $0x88, s6;
	s7 =	simm.s32 @p2 $0x1082  }
0x22: {  	[simem:s7], [sflag:s8] =	dma.local @!p0 [hbm:s6], $0xF7A  }
0x23: {  	s9 =	sor.u32 $0xD0000000, s2;
	s6 =	simm.s32 $0x108;
	_ =	swait.ge @!p0 [sflag:s8], $0x0  }
0x24: {  	s3 =	sadd.s32 $0x88, s3;
	s6 =	simm.s32 @!p1 $0x1082;
	[sflag:s4] =	ssyncset.s32 $0xFFFFF086  }
0x25: {  	[simem:s6], [sflag:s4] =	dma.local [hbm:s3], $0xF7A  }
0x26: {  	[smem:$0x3F97] =	sst s1;
	(tag) =	ssettag s2;
	_ =	strace s9  }
0x27: {  	s1 =	sld [smem:$0x3FA7]  }
0x28: {  	s2 =	sld [smem:$0x3FA8]  }
0x29: {  	s4 =	sld [smem:$0x3FAA]  }
0x2a: {  	p0 =	seq.s32 s5, $0x0;
	s5 =	sld [smem:$0x3FAB]  }
0x2b: {  	s6 =	sld [smem:$0x3FAC]  }
0x2c: {  	s7 =	sld [smem:$0x3FAD]  }
0x2d: {  	s3 =	simm.s32 $0x108;
	s8 =	sld [smem:$0x3FAE]  }
0x2e: {  	s3 =	simm.s32 @!p0 $0x1082;
	s9 =	sld [smem:$0x3FAF]  }
0x2f: {  	lr =	sadd.s32 s0, s3;
	s0 =	sld [smem:$0x3FA6]  }
0x30: {  	s3 =	sld [smem:$0x3FA9]  }
0x31: {  	[smem:$0x3FB2] =	sst s10  }
0x32: {  	s10 =	sld [smem:$0x3FB0];
	_ =	sdelay $0x3  }
0x33: {  	p0 =	seq.s32 s10, $0x1;
	s10 =	sld [smem:$0x3FB2];
	_ =	sdelay $0x3  }
0x34: {  	[smem:$0x3FB2] =	sst s10  }
0x35: {  	s10 =	sld [smem:$0x3FB1];
	_ =	sdelay $0x3  }
0x36: {  	p1 =	seq.s32 s10, $0x1;
	s10 =	sld [smem:$0x3FB2];
	_ =	sdelay $0x3  }
0x37: {  	[smem:$0x3FB2] =	sst s10  }
0x38: {  	s10 =	sld [smem:$0x3FB3]  }
0x39: {  	_ = 	snop;
	(pc) =	sbr.ind lr, $3  }
0x3a: {  	_ = 	snop  }
0x3b: {  	_ = 	snop  }
0x3c: {  	p2 =	seq.s32 s10, $0x1;
	s10 =	sld [smem:$0x3FB2]  }
0x3d: {  	_ =	shalt  }
0x3e: {  	_ =	shalt  }
0x3f: {  	_ =	shalt  }
0x40: {  	_ =	shalt  }
0x41: {  	_ =	shalt  }
0x42: {  	_ =	shalt  }
0x43: {  	_ =	shalt  }
0x44: {  	_ =	shalt  }
0x45: {  	_ =	shalt  }
0x46: {  	_ =	shalt  }
0x47: {  	_ =	shalt  }
0x48: {  	_ =	shalt  }
0x49: {  	_ =	shalt  }
0x4a: {  	_ =	shalt  }
0x4b: {  	_ =	shalt  }
0x4c: {  	_ =	shalt  }
0x4d: {  	_ =	shalt  }
0x4e: {  	_ =	shalt  }
0x4f: {  	_ =	shalt  }
0x50: {  	_ =	shalt  }
0x51: {  	_ =	shalt  }
0x52: {  	_ =	shalt  }
0x53: {  	_ =	shalt  }
0x54: {  	_ =	shalt  }
0x55: {  	_ =	shalt  }
0x56: {  	_ =	shalt  }
0x57: {  	_ =	shalt  }
0x58: {  	_ =	shalt  }
0x59: {  	_ =	shalt  }
0x5a: {  	_ =	shalt  }
0x5b: {  	_ =	shalt  }
0x5c: {  	_ =	shalt  }
0x5d: {  	_ =	shalt  }
0x5e: {  	_ =	shalt  }
0x5f: {  	_ =	shalt  }
0x60: {  	_ =	shalt  }
0x61: {  	_ =	shalt  }
0x62: {  	_ =	shalt  }
0x63: {  	_ =	shalt  }
0x64: {  	_ =	shalt  }
0x65: {  	_ =	shalt  }
0x66: {  	_ =	shalt  }
0x67: {  	_ =	shalt  }
0x68: {  	_ =	shalt  }
0x69: {  	_ =	shalt  }
0x6a: {  	_ =	shalt  }
0x6b: {  	_ =	shalt  }
0x6c: {  	_ =	shalt  }
0x6d: {  	_ =	shalt  }
0x6e: {  	_ =	shalt  }
0x6f: {  	_ =	shalt  }
0x70: {  	_ =	shalt  }
0x71: {  	_ =	shalt  }
0x72: {  	_ =	shalt  }
0x73: {  	_ =	shalt  }
0x74: {  	_ =	shalt  }
0x75: {  	_ =	shalt  }
0x76: {  	_ =	shalt  }
0x77: {  	_ =	shalt  }
0x78: {  	_ =	shalt  }
0x79: {  	_ =	shalt  }
0x7a: {  	_ =	shalt  }
0x7b: {  	_ =	shalt  }
0x7c: {  	_ =	shalt  }
0x7d: {  	_ =	shalt  }
0x7e: {  	_ =	shalt  }
0x7f: {  	_ =	shalt  }
0x80: {  	_ =	shalt  }
0x81: {  	_ =	shalt  }
0x82: {  	_ =	shalt  }
0x83: {  	_ =	shalt  }
0x84: {  	_ =	shalt  }
0x85: {  	_ =	shalt  }
0x86: {  	_ =	shalt  }
0x87: {  	_ =	shalt  }
.Lfunc_end0:
.L_simem_size_0:
called_computation.2_lowered:
.L_overlay_start_0:
0x88: {  	s2 =	sld [smem:$0x3FD9]  }
0x89: {  	s3 =	sld [smem:$0x3FFE];
	_ =	sdelay $0x1  }
0x8a: {  	s1 =	srdreg.scid  }
0x8b: {  	s0 =	sand.u32 $0x1, s1  }
0x8c: {  	s17 =	sshll.u32 s0, $0xA;
	s2 =	sadd.s32 s3, s2  }
0x8d: {  	s2 =	sadd.s32 s2, s17  }
0x8e: {  	[smem:$0x3FBE] =	sst s2  }
0x8f: {  	_ = 	snop  }
0x90: {  	s2 =	sld [smem:$0x3FD0];
	(tm) =	ssettm $0x1  }
0x91: {  	s18 =	sld [smem:$0x3FFB];
	_ =	sdelay $0x3  }
0x92: {  	_ =	strace s18  }
0x93: {  	s3 =	sld [smem:$0x3FFC];
	_ =	sdelay $0x3  }
0x94: {  	_ =	strace s3  }
0x95: {  	s3 =	sld [smem:$0x3FFD];
	_ =	sdelay $0x3  }
0x96: {  	_ =	strace s3  }
0x97: {  	_ =	strace $0x8FFFFFFF  }
0x98: {  	s19 =	sld [smem:$0x3FDB];
	_ =	sdelay $0x1  }
0x99: {  	s4 =	simm.s32 $_scs_section_size  }
0x9a: {  	s5 =	simm.s32 $_size__tile_overlayer_lowered;
	s6 =	simm.s32 $_tile_overlayer_lowered  }
0x9b: {  	s22 =	simm.s32 $0x1BFF;
	s21 =	sshll.u32 s6, $0x1;
	s3 =	sadd.s32 s4, s19  }
0x9c: {  	s7 =	simm.s32 $0x0;
	s20 =	sshll.u32 s5, $0x1;
	s5 =	sadd.s32 s21, s3  }
0x9d: {  	[timem:s7], [sflag:s22] =	dma.local [hbm:s5], s20  }
0x9e: {  	_ =	swait.ge [sflag:s22], s20  }
0x9f: {  	s4 =	ssub.s32 $0x0, s20;
	[sflag:s22] =	ssyncset.done $0x0  }
0xa0: {  	[sflag:s22] =	ssyncadd.s32 s4;
	_ =	sdelay $0x1  }
0xa1: {  	s23 =	simm.s32 $0x1B8B  }
0xa2: {  	_ =	swait.ge [sflag:s23], $0x1  }
0xa3: {  	[sflag:s23] =	ssyncset.done $0x0  }
0xa4: {  	s25 =	simm.s32 $0x1B8E;
	s24 =	sld [smem:$0x3FFE];
	[sflag:s23] =	ssyncadd.s32 $0xFFFFFFFF  }
0xa5: {  	s26 =	simm.s32 $execute0_lowered;
	[smem:$0x3FD2] =	sst s25  }
0xa6: {  	s5 =	sshll.u32 s26, $0x1;
	_ =	strace $0x8000004C;
	[dreg:$0x1] =	wrdreg $0xFFFFFFFF  }
0xa7: {  	s28 =	simm.s32 $_size_execute0_lowered;
	s3 =	sadd.s32 s3, s5;
	[dreg:$0x0] =	wrdreg $0x0  }
0xa8: {  	s5 =	sshll.u32 s28, $0x1;
	[dreg:$0x2] =	wrdreg s3  }
0xa9: {  	[dreg:$0x3] =	wrdreg s5  }
0xaa: {  	[dreg:$0x4] =	wrdreg $0xC0  }
0xab: {  	_ =	task [dreg:s7], $0x5FFFF  }
0xac: {  	[dreg:$0x1] =	wrdreg $0xFFFFFFFF  }
0xad: {  	[dreg:$0x0] =	wrdreg $0x60  }
0xae: {  	[dreg:$0x2] =	wrdreg s2  }
0xaf: {  	[dreg:$0x3] =	wrdreg s24  }
0xb0: {  	[dreg:$0x4] =	wrdreg $0x52000  }
0xb1: {  	[dreg:$0x5] =	wrdreg $0x9  }
0xb2: {  	_ =	task.clear_ibuf [dreg:s7], $0x6FFFF;
	_ =	strace $0x9000004C  }
0xb3: {  	s29 =	simm.s32 $0x9;
	_ =	strace $0x8000004E  }
0xb4: {  	_ =	swait.ge [sflag:s29], $0x1  }
0xb5: {  	[sflag:s29] =	ssyncadd.s32 $0xFFFFFFFF  }
0xb6: {  	_ =	strace $0x9000004E  }
0xb7: {  	_ =	sfence  }
0xb8: {  	s30 =	sld [smem:$0x0];
	_ =	sdelay $0x2  }
0xb9: {  	s31 =	sshll.u32 s1, $0xD;
	s1 =	sshrl.u32 s1, $0x2  }
0xba: {  	s3 =	sand.u32 $0x4000, s31;
	s1 =	sadd.s32 s1, s30  }
0xbb: {  	s0 =	sor.u32 s3, s0;
	s1 =	sshll.u32 s1, $0x11  }
0xbc: {  	s0 =	sor.u32 s1, s0  }
0xbd: {  	s0 =	sadd.s32 $0x8F2B, s0  }
0xbe: {  	[sflag:s0] =	ssyncadd.remote.s32 $0x1  }
0xbf: {  	_ =	sfence.sel $0xFFFF  }
0xc0: {  	[dreg:$0x0] =	wrdreg $0xFFFFFFFF;
	(pc) =	sbr.abs _section_cstart, $3  }
0xc1: {  	[dreg:$0x1] =	wrdreg $0xFFFFFFFF  }
0xc2: {  	_ =	task.clear_ibuf [dreg:s7], $0x2FFFF;
	_ =	strace $0x9FFFFFFF  }
0xc3: {  	(tm) =	ssettm $0x7FFFFFFF  }
tec
execute0_lowered:
.L_overlay_start_1:
0x0: {  	(tag) =	ssettag $0x1  }
0x1: {  	s2 =	rddreg [dreg:$0x0]  }
0x2: {  	s5 =	rddreg [dreg:$0x1]  }
0x3: {  	s3 =	rddreg [dreg:$0x2]  }
0x4: {  	s0 =	rddreg [dreg:$0x3];
	s1 =	stileid.u32  }
0x5: {  	s6 =	srdreg.scid;
	s4 =	simm.s32 $0x0;
	s16 =	simm.s32 $0x200  }
0x6: {  	s17 =	simm.s32 $0x1;
	s18 =	simm.s32 $0x80;
	s19 =	simm.s32 $0x100  }
0x7: {  	s20 =	simm.s32 $0x2A00;
	s21 =	simm.s32 $0x2;
	s7 =	smul.u32 $0x14000, s1  }
0x8: {  	s22 =	simm.s32 $0x180;
	s9 =	sand.u32 $0x1, s6;
	s10 =	smul.u32 $0x50000, s1  }
0x9: {  	[smem:$0x7FF] =	sst s4;
	s11 =	sadd.s32 $0x2400, s5;
	s15 =	smul.u32 $0x1F40, s1  }
0xa: {  	s25 =	sshll.u32 s1, $0x1;
	s28 =	sshll.u32 s1, $0x6;
	s6 =	smul.u32 $0x140000, s9  }
0xb: {  	_ =	strace $0x8000004D;
	s23 =	ssub.s32 $0x2, s9;
	s30 =	smul.u32 $0xFA0, s9  }
0xc: {  	s8 =	sshrl.u32 s7, $0x3;
	s24 =	sshrl.u32 s23, $0x1;
	s26 =	sshrl.u32 s10, $0x2  }
0xd: {  	s31 =	sadd.s32 s15, s11;
	s15 =	simm.s32 $0x50;
	s8 =	sadd.s32 s8, s5  }
0xe: {  	s6 =	sadd.s32 s7, s6;
	s13 =	ssub.s32 s23, s24;
	s14 =	sadd.s32 s26, s3  }
0xf: {  	s23 =	simm.s32 $0x4;
	s24 =	simm.s32 $0x3;
	s6 =	sshrl.u32 s6, $0x3  }
.Ltmp0:
0x10: {  	s12 =	sadd.s32 s6, s5;
	s6 =	sor.u32 s9, s25;
	(pc) =	sbr.rel .LBB2_1-.Ltmp0, $4  }
0x11: {  	s5 =	sadd.s32 $0x21800, s8;
	s9 =	smax.u32 s13, $0x1;
	s29 =	smul.u32 $0xFA0, s6  }
0x12: {  	s13 =	sshrl.u32 s14, $0x3;
	s14 =	simm.s32 $0x5;
	s25 =	simm.s32 $0x0  }
0x13: {  	s6 =	sor.u32 $0x1C05, s28;
	s8 =	sadd.s32 $0x99800, s12;
	s7 =	sadd.s32 s11, s29  }
0x14: {  	s12 =	sadd.s32 s30, s31;
	s10 =	sadd.s32 $0x20, s7;
	s11 =	sadd.s32 $0x40, s7  }
.LBB2_6:
0x15: {  	_ =	swait.ge [sflag:s24], $0x2800  }
0x16: {  	s25 =	sadd.s32 $0x1, s25;
	[sflag:s24] =	ssyncset.done $0x0  }
0x17: {  	p0 =	sne.s32 s25, s9;
	[sflag:s24] =	ssyncadd.s32 $0xFFFFD800  }
.Ltmp1:
0x18: {  	[bflag:$0x0] =	sbarrier.arrive $0xFFFF;
	(pc) =	sbr.rel @!p0 .LBB2_7-.Ltmp1, $4  }
0x19: {  	[hbm:s8], [sflag:s6] =	dma.local [spmem:s13], $0x2800  }
0x1a: {  	_ =	swait.ge [sflag:s14], $0x2800  }
0x1b: {  	[sflag:s14] =	ssyncset.done $0x0  }
0x1c: {  	[sflag:s14] =	ssyncadd.s32 $0xFFFFD800  }
.LBB2_1:
0x1d: {  	[spmem:s13], [sflag:s6] =	dma.local [hbm:s5], $0x2800  }
0x1e: {  	_ =	swait.ge [sflag:s14], $0x2800  }
0x1f: {  	[sflag:s14] =	ssyncset.done $0x0  }
0x20: {  	[sflag:s14] =	ssyncadd.s32 $0xFFFFD800  }
0x21: {  	[bflag:$0x0] =	sbarrier.arrive $0xFFFF  }
0x22: {  	[tilespmem:s4], [sflag:$0x5] =	stream.linear.gather [hbm4b:s7+s4], $0x100, $0x38;
	[tilespmem:$0x19200] =	vst v63  }
0x23: {  	_ =	swait.ge [sflag:s14], $0x100  }
0x24: {  	[sflag:s14] =	ssyncset.done $0x0  }
0x25: {  	[sflag:s14] =	ssyncadd.s32 $0xFFFFFF00  }
0x26: {  	[tilespmem:s16], [sflag:$0x1] =	stream.indirect.gather [hbm4b:s2+s15], $0x80, s4, s15, $0xb8;
	[tilespmem:$0x19200] =	vst v63  }
0x27: {  	_ =	swait.ge [sflag:s17], $0x2800  }
0x28: {  	[sflag:s17] =	ssyncset.done $0x0  }
0x29: {  	[sflag:s17] =	ssyncadd.s32 $0xFFFFD800  }
0x2a: {  	[spmem:s3] =	stream.indirect.scatter.add.f32 [tilespmem:s16], [sflag:$0x3], $0x80, s18, s15, $0xb8;
	[tilespmem:$0x19200] =	vst v63  }
0x2b: {  	_ = 	snop  }
0x2c: {  	[tilespmem:s19], [sflag:$0x5] =	stream.linear.gather [hbm4b:s10+s4], $0x100, $0x38;
	[tilespmem:$0x19200] =	vst v63  }
0x2d: {  	_ =	swait.ge [sflag:s14], $0x100  }
0x2e: {  	[sflag:s14] =	ssyncset.done $0x0  }
0x2f: {  	[sflag:s14] =	ssyncadd.s32 $0xFFFFFF00  }
0x30: {  	[tilespmem:s20], [sflag:$0x2] =	stream.indirect.gather [hbm4b:s2+s15], $0x80, s19, s15, $0xb8;
	[tilespmem:$0x19200] =	vst v63  }
0x31: {  	_ =	swait.ge [sflag:s21], $0x2800  }
0x32: {  	[sflag:s21] =	ssyncset.done $0x0  }
0x33: {  	[sflag:s21] =	ssyncadd.s32 $0xFFFFD800  }
0x34: {  	_ =	swait.ge [sflag:s24], $0x2800  }
0x35: {  	[sflag:s24] =	ssyncset.done $0x0  }
0x36: {  	[sflag:s24] =	ssyncadd.s32 $0xFFFFD800  }
0x37: {  	[spmem:s3] =	stream.indirect.scatter.add.f32 [tilespmem:s20], [sflag:$0x4], $0x80, s22, s15, $0xb8;
	[tilespmem:$0x19200] =	vst v63  }
0x38: {  	_ = 	snop  }
0x39: {  	[tilespmem:s4], [sflag:$0x5] =	stream.linear.gather [hbm4b:s11+s4], $0x100, $0x38;
	[tilespmem:$0x19200] =	vst v63  }
.Ltmp2:
0x3a: {  	_ = 	snop;
	(pc) =	sbr.rel .LBB2_2-.Ltmp2, $4  }
0x3b: {  	_ =	swait.ge [sflag:s14], $0x100  }
0x3c: {  	[sflag:s14] =	ssyncset.done $0x0  }
0x3d: {  	s26 =	simm.s32 $0x3;
	s28 =	simm.s32 $0x0;
	[sflag:s14] =	ssyncadd.s32 $0xFFFFFF00  }
0x3e: {  	[tilespmem:s16], [sflag:$0x1] =	stream.indirect.gather [hbm4b:s2+s15], $0x80, s4, s15, $0xb8;
	[tilespmem:$0x19200] =	vst v63  }
.LBB2_5:
0x3f: {  	s28 =	sadd.s32 $0x40, s28  }
0x40: {  	p0 =	sne.s32 s28, $0xF80  }
.Ltmp3:
0x41: {  	_ = 	snop;
	(pc) =	sbr.rel @!p0 .LBB2_6-.Ltmp3, $2  }
0x42: {  	_ =	sdelay $0x2  }
0x43: {  	s26 =	sadd.s32 $0x2, s26  }
.LBB2_2:
0x44: {  	_ =	swait.ge [sflag:s17], $0x2800  }
0x45: {  	p0 =	sgt.u32 s26, $0x7C;
	[sflag:s17] =	ssyncset.done $0x0  }
.Ltmp4:
0x46: {  	[sflag:s17] =	ssyncadd.s32 $0xFFFFD800;
	(pc) =	sbr.rel @p0 .LBB2_5-.Ltmp4, $4  }
0x47: {  	_ =	swait.ge [sflag:s23], $0x2800  }
0x48: {  	[sflag:s23] =	ssyncset.done $0x0  }
0x49: {  	[sflag:s23] =	ssyncadd.s32 $0xFFFFD800  }
0x4a: {  	[spmem:s3] =	stream.indirect.scatter.add.f32 [tilespmem:s16], [sflag:$0x3], $0x80, s18, s15, $0xb8;
	[tilespmem:$0x19200] =	vst v63  }
0x4b: {  	s29 =	sadd.s32 s28, s12  }
0x4c: {  	s30 =	sadd.s32 $0x60, s29  }
0x4d: {  	[tilespmem:s19], [sflag:$0x5] =	stream.linear.gather [hbm4b:s30+s4], $0x100, $0x38;
	[tilespmem:$0x19200] =	vst v63  }
0x4e: {  	_ =	swait.ge [sflag:s14], $0x100  }
0x4f: {  	[sflag:s14] =	ssyncset.done $0x0  }
0x50: {  	[sflag:s14] =	ssyncadd.s32 $0xFFFFFF00  }
0x51: {  	[tilespmem:s20], [sflag:$0x2] =	stream.indirect.gather [hbm4b:s2+s15], $0x80, s19, s15, $0xb8;
	[tilespmem:$0x19200] =	vst v63  }
0x52: {  	_ =	swait.ge [sflag:s21], $0x2800  }
0x53: {  	p0 =	seq.s32 s28, $0xF40;
	[sflag:s21] =	ssyncset.done $0x0  }
.Ltmp5:
0x54: {  	[sflag:s21] =	ssyncadd.s32 $0xFFFFD800;
	(pc) =	sbr.rel @p0 .LBB2_6-.Ltmp5, $4  }
0x55: {  	_ =	swait.ge [sflag:s24], $0x2800  }
0x56: {  	[sflag:s24] =	ssyncset.done $0x0  }
0x57: {  	[sflag:s24] =	ssyncadd.s32 $0xFFFFD800  }
0x58: {  	[spmem:s3] =	stream.indirect.scatter.add.f32 [tilespmem:s20], [sflag:$0x4], $0x80, s22, s15, $0xb8;
	[tilespmem:$0x19200] =	vst v63  }
0x59: {  	s29 =	sadd.s32 $0x80, s29  }
0x5a: {  	[tilespmem:s4], [sflag:$0x5] =	stream.linear.gather [hbm4b:s29+s4], $0x100, $0x38;
	[tilespmem:$0x19200] =	vst v63  }
.Ltmp6:
0x5b: {  	_ = 	snop;
	(pc) =	sbr.rel .LBB2_5-.Ltmp6, $4  }
0x5c: {  	_ =	swait.ge [sflag:s14], $0x100  }
0x5d: {  	[sflag:s14] =	ssyncset.done $0x0  }
0x5e: {  	[sflag:s14] =	ssyncadd.s32 $0xFFFFFF00  }
0x5f: {  	[tilespmem:s16], [sflag:$0x1] =	stream.indirect.gather [hbm4b:s2+s15], $0x80, s4, s15, $0xb8;
	[tilespmem:$0x19200] =	vst v63  }
.LBB2_7:
0x60: {  	_ =	sfence.sel $0x180000  }
0x61: {  	[bflag:$0x0] =	sbarrier.arrive $0xFFFF  }
0x62: {  	p0 =	sne.s32 s1, $0x0;
	_ =	strace $0x9000004D  }
0x63: {  	s0 =	sadd.s32 @!p0 $0x100000, s0;
	[bflag:$0x2] =	sbarrier.arrive $0xFFFF  }
0x64: {  	[sflag:s0] =	ssyncadd.tile.s32 @!p0 $0x1;
	_ =	shalt  }
.Lfunc_end2:
_tile_overlayer_lowered:
.L_overlay_start_2:
0x65: {  	(tag) =	ssettag $0x2  }
0x66: {  	s0 =	rddreg [dreg:$0x0];
	s2 =	stileid.u32  }
0x67: {  	s1 =	rddreg [dreg:$0x1];
	p0 =	sne.s32 s2, $0x0  }
0x68: {  	s3 =	rddreg [dreg:$0x2];
	[bflag:$0x3] =	sbarrier.arrive $0xFFFF;
	s2 =	simm.s32 @!p0 $0x1C05  }
0x69: {  	[timem:s3], [sflag:s2] =	dma.local @!p0 [hbm:s0], s1  }
0x6a: {  	s0 =	simm.s32 @!p0 $0x5  }
0x6b: {  	_ =	swait.ge @!p0 [sflag:s0], s1  }
0x6c: {  	s1 =	ssub.s32 @!p0 $0x0, s1;
	[sflag:s0] =	ssyncset.done @!p0 $0x0  }
0x6d: {  	[sflag:s0] =	ssyncadd.s32 @!p0 s1  }
0x6e: {  	[bflag:$0x3] =	sbarrier.arrive $0xFFFF  }
0x6f: {  	_ =	shalt  }

// kernel: kernel.7.cloned.1.call-start
scs
__scs_entry_jumppad:
0x0: {  	(pc) =	sbr.rel $0x88, $3  }
0x1: {  	(tag) =	ssettag $0x0;
	lr =	simm.s32 $0x1  }
0x2: {  	[smem:$0x3F97] =	sst lr;
	_ =	strace $0xD0000000  }
0x3: {  	_ = 	snop  }
0x4: {  	_ = 	snop  }
0x5: {  	_ = 	snop  }
0x6: {  	_ = 	snop  }
0x7: {  	_ = 	snop  }
__scs_overlays_trampoline_lowered:
0x8: {  	[smem:$0x3FA6] =	sst s0  }
0x9: {  	[smem:$0x3FA7] =	sst s1  }
0xa: {  	[smem:$0x3FA8] =	sst s2  }
0xb: {  	[smem:$0x3FA9] =	sst s3  }
0xc: {  	[smem:$0x3FAA] =	sst s4  }
0xd: {  	[smem:$0x3FAB] =	sst s5  }
0xe: {  	[smem:$0x3FAC] =	sst s6  }
0xf: {  	[smem:$0x3FAD] =	sst s7  }
0x10: {  	[smem:$0x3FAE] =	sst s8  }
0x11: {  	[smem:$0x3FAF] =	sst s9;
	s0 =	simm.s32 @!p0 $0x0  }
0x12: {  	s1 =	sld [smem:$0x3F95];
	s0 =	simm.s32 @p0 $0x1  }
0x13: {  	[smem:$0x3FB0] =	sst s0;
	s0 =	simm.s32 @!p1 $0x0  }
0x14: {  	s2 =	sld [smem:$0x3F94];
	s0 =	simm.s32 @p1 $0x1  }
0x15: {  	[smem:$0x3FB1] =	sst s0;
	s0 =	simm.s32 @!p2 $0x0  }
0x16: {  	s3 =	sld [smem:$0x3FDB];
	s0 =	simm.s32 @p2 $0x1  }
0x17: {  	s4 =	simm.s32 $0x1BF5;
	[smem:$0x3FB3] =	sst s0  }
0x18: {  	s0 =	sld [smem:$0x3F96];
	_ =	swait.ge [sflag:s4], $0x0  }
0x19: {  	s7 =	sld [smem:$0x3F97]  }
0x1a: {  	s8 =	sadd.s32 $0xFFFFE003, lr  }
0x1b: {  	s9 =	sadd.s32 $0xFFFFFEF7, lr;
	s5 =	simm.s32 $0xFFFFFFFF;
	p2 =	slt.u32 s8, $0xFFFFF086  }
0x1c: {  	p1 =	slt.u32 s9, $0xF7A;
	s5 =	simm.s32 @!p2 $0x0  }
0x1d: {  	s5 =	simm.s32 @p1 $0x1;
	p0 =	seq.s32 s7, s2  }
0x1e: {  	s7 =	smul.u32 @!p0 $0xF7A, s2;
	p2 =	seq.s32 @!p0 s5, $0x0  }
0x1f: {  	s9 =	smul.u32 $0xF7A, s1;
	s8 =	simm.s32 @!p0 $0x1BF5;
	p2 =	por !p2, p0  }
0x20: {  	[sflag:s8] =	ssyncset.s32 @!p0 $0xFFFFF086;
	s6 =	sadd.s32 @!p0 s3, s7;
	s7 =	simm.s32 @!p0 $0x108  }
0x21: {  	s3 =	sadd.s32 s3, s9;
	s6 =	sadd.s32 @!p0 $0x88, s6;
	s7 =	simm.s32 @p2 $0x1082  }
0x22: {  	[simem:s7], [sflag:s8] =	dma.local @!p0 [hbm:s6], $0xF7A  }
0x23: {  	s9 =	sor.u32 $0xD0000000, s2;
	s6 =	simm.s32 $0x108;
	_ =	swait.ge @!p0 [sflag:s8], $0x0  }
0x24: {  	s3 =	sadd.s32 $0x88, s3;
	s6 =	simm.s32 @!p1 $0x1082;
	[sflag:s4] =	ssyncset.s32 $0xFFFFF086  }
0x25: {  	[simem:s6], [sflag:s4] =	dma.local [hbm:s3], $0xF7A  }
0x26: {  	[smem:$0x3F97] =	sst s1;
	(tag) =	ssettag s2;
	_ =	strace s9  }
0x27: {  	s1 =	sld [smem:$0x3FA7]  }
0x28: {  	s2 =	sld [smem:$0x3FA8]  }
0x29: {  	s4 =	sld [smem:$0x3FAA]  }
0x2a: {  	p0 =	seq.s32 s5, $0x0;
	s5 =	sld [smem:$0x3FAB]  }
0x2b: {  	s6 =	sld [smem:$0x3FAC]  }
0x2c: {  	s7 =	sld [smem:$0x3FAD]  }
0x2d: {  	s3 =	simm.s32 $0x108;
	s8 =	sld [smem:$0x3FAE]  }
0x2e: {  	s3 =	simm.s32 @!p0 $0x1082;
	s9 =	sld [smem:$0x3FAF]  }
0x2f: {  	lr =	sadd.s32 s0, s3;
	s0 =	sld [smem:$0x3FA6]  }
0x30: {  	s3 =	sld [smem:$0x3FA9]  }
0x31: {  	[smem:$0x3FB2] =	sst s10  }
0x32: {  	s10 =	sld [smem:$0x3FB0];
	_ =	sdelay $0x3  }
0x33: {  	p0 =	seq.s32 s10, $0x1;
	s10 =	sld [smem:$0x3FB2];
	_ =	sdelay $0x3  }
0x34: {  	[smem:$0x3FB2] =	sst s10  }
0x35: {  	s10 =	sld [smem:$0x3FB1];
	_ =	sdelay $0x3  }
0x36: {  	p1 =	seq.s32 s10, $0x1;
	s10 =	sld [smem:$0x3FB2];
	_ =	sdelay $0x3  }
0x37: {  	[smem:$0x3FB2] =	sst s10  }
0x38: {  	s10 =	sld [smem:$0x3FB3]  }
0x39: {  	_ = 	snop;
	(pc) =	sbr.ind lr, $3  }
0x3a: {  	_ = 	snop  }
0x3b: {  	_ = 	snop  }
0x3c: {  	p2 =	seq.s32 s10, $0x1;
	s10 =	sld [smem:$0x3FB2]  }
0x3d: {  	_ =	shalt  }
0x3e: {  	_ =	shalt  }
0x3f: {  	_ =	shalt  }
0x40: {  	_ =	shalt  }
0x41: {  	_ =	shalt  }
0x42: {  	_ =	shalt  }
0x43: {  	_ =	shalt  }
0x44: {  	_ =	shalt  }
0x45: {  	_ =	shalt  }
0x46: {  	_ =	shalt  }
0x47: {  	_ =	shalt  }
0x48: {  	_ =	shalt  }
0x49: {  	_ =	shalt  }
0x4a: {  	_ =	shalt  }
0x4b: {  	_ =	shalt  }
0x4c: {  	_ =	shalt  }
0x4d: {  	_ =	shalt  }
0x4e: {  	_ =	shalt  }
0x4f: {  	_ =	shalt  }
0x50: {  	_ =	shalt  }
0x51: {  	_ =	shalt  }
0x52: {  	_ =	shalt  }
0x53: {  	_ =	shalt  }
0x54: {  	_ =	shalt  }
0x55: {  	_ =	shalt  }
0x56: {  	_ =	shalt  }
0x57: {  	_ =	shalt  }
0x58: {  	_ =	shalt  }
0x59: {  	_ =	shalt  }
0x5a: {  	_ =	shalt  }
0x5b: {  	_ =	shalt  }
0x5c: {  	_ =	shalt  }
0x5d: {  	_ =	shalt  }
0x5e: {  	_ =	shalt  }
0x5f: {  	_ =	shalt  }
0x60: {  	_ =	shalt  }
0x61: {  	_ =	shalt  }
0x62: {  	_ =	shalt  }
0x63: {  	_ =	shalt  }
0x64: {  	_ =	shalt  }
0x65: {  	_ =	shalt  }
0x66: {  	_ =	shalt  }
0x67: {  	_ =	shalt  }
0x68: {  	_ =	shalt  }
0x69: {  	_ =	shalt  }
0x6a: {  	_ =	shalt  }
0x6b: {  	_ =	shalt  }
0x6c: {  	_ =	shalt  }
0x6d: {  	_ =	shalt  }
0x6e: {  	_ =	shalt  }
0x6f: {  	_ =	shalt  }
0x70: {  	_ =	shalt  }
0x71: {  	_ =	shalt  }
0x72: {  	_ =	shalt  }
0x73: {  	_ =	shalt  }
0x74: {  	_ =	shalt  }
0x75: {  	_ =	shalt  }
0x76: {  	_ =	shalt  }
0x77: {  	_ =	shalt  }
0x78: {  	_ =	shalt  }
0x79: {  	_ =	shalt  }
0x7a: {  	_ =	shalt  }
0x7b: {  	_ =	shalt  }
0x7c: {  	_ =	shalt  }
0x7d: {  	_ =	shalt  }
0x7e: {  	_ =	shalt  }
0x7f: {  	_ =	shalt  }
0x80: {  	_ =	shalt  }
0x81: {  	_ =	shalt  }
0x82: {  	_ =	shalt  }
0x83: {  	_ =	shalt  }
0x84: {  	_ =	shalt  }
0x85: {  	_ =	shalt  }
0x86: {  	_ =	shalt  }
0x87: {  	_ =	shalt  }
.Lfunc_end0:
.L_simem_size_0:
called_computation_lowered:
.L_overlay_start_0:
0x88: {  	s2 =	sld [smem:$0x3FD9]  }
0x89: {  	s3 =	sld [smem:$0x3FFE];
	_ =	sdelay $0x1  }
0x8a: {  	s1 =	srdreg.scid  }
0x8b: {  	s0 =	sand.u32 $0x1, s1  }
0x8c: {  	s17 =	sshll.u32 s0, $0xA;
	s2 =	sadd.s32 s3, s2  }
0x8d: {  	s2 =	sadd.s32 s2, s17  }
0x8e: {  	[smem:$0x3FBE] =	sst s2  }
0x8f: {  	_ = 	snop  }
0x90: {  	s2 =	sld [smem:$0x3FD0];
	(tm) =	ssettm $0x1  }
0x91: {  	s18 =	sld [smem:$0x3FFB];
	_ =	sdelay $0x3  }
0x92: {  	_ =	strace s18  }
0x93: {  	s3 =	sld [smem:$0x3FFC];
	_ =	sdelay $0x3  }
0x94: {  	_ =	strace s3  }
0x95: {  	s3 =	sld [smem:$0x3FFD];
	_ =	sdelay $0x3  }
0x96: {  	_ =	strace s3  }
0x97: {  	_ =	strace $0x8FFFFFFF  }
0x98: {  	s19 =	sld [smem:$0x3FDB];
	_ =	sdelay $0x1  }
0x99: {  	s4 =	simm.s32 $_scs_section_size  }
0x9a: {  	s5 =	simm.s32 $_size__tile_overlayer_lowered;
	s6 =	simm.s32 $_tile_overlayer_lowered  }
0x9b: {  	s22 =	simm.s32 $0x1BFF;
	s21 =	sshll.u32 s6, $0x1;
	s3 =	sadd.s32 s4, s19  }
0x9c: {  	s7 =	simm.s32 $0x0;
	s20 =	sshll.u32 s5, $0x1;
	s5 =	sadd.s32 s21, s3  }
0x9d: {  	[timem:s7], [sflag:s22] =	dma.local [hbm:s5], s20  }
0x9e: {  	_ =	swait.ge [sflag:s22], s20  }
0x9f: {  	s4 =	ssub.s32 $0x0, s20;
	[sflag:s22] =	ssyncset.done $0x0  }
0xa0: {  	[sflag:s22] =	ssyncadd.s32 s4;
	_ =	sdelay $0x1  }
0xa1: {  	s23 =	simm.s32 $0x1B8B  }
0xa2: {  	_ =	swait.ge [sflag:s23], $0x1  }
0xa3: {  	[sflag:s23] =	ssyncset.done $0x0  }
0xa4: {  	s25 =	simm.s32 $0x1B8E;
	s24 =	sld [smem:$0x3FFE];
	[sflag:s23] =	ssyncadd.s32 $0xFFFFFFFF  }
0xa5: {  	s26 =	simm.s32 $execute0_lowered;
	[smem:$0x3FD2] =	sst s25  }
0xa6: {  	s5 =	sshll.u32 s26, $0x1;
	_ =	strace $0x80000046;
	[dreg:$0x1] =	wrdreg $0xFFFFFFFF  }
0xa7: {  	s28 =	simm.s32 $_size_execute0_lowered;
	s3 =	sadd.s32 s3, s5;
	[dreg:$0x0] =	wrdreg $0x0  }
0xa8: {  	s5 =	sshll.u32 s28, $0x1;
	[dreg:$0x2] =	wrdreg s3  }
0xa9: {  	[dreg:$0x3] =	wrdreg s5  }
0xaa: {  	[dreg:$0x4] =	wrdreg $0xC0  }
0xab: {  	_ =	task [dreg:s7], $0x5FFFF  }
0xac: {  	[dreg:$0x1] =	wrdreg $0xFFFFFFFF  }
0xad: {  	[dreg:$0x0] =	wrdreg $0x60  }
0xae: {  	[dreg:$0x2] =	wrdreg s24  }
0xaf: {  	[dreg:$0x3] =	wrdreg s2  }
0xb0: {  	[dreg:$0x4] =	wrdreg $0x2A000  }
0xb1: {  	[dreg:$0x5] =	wrdreg $0x9  }
0xb2: {  	_ =	task.clear_ibuf [dreg:s7], $0x6FFFF;
	_ =	strace $0x90000046  }
0xb3: {  	s29 =	simm.s32 $0x9;
	_ =	strace $0x80000048  }
0xb4: {  	_ =	swait.ge [sflag:s29], $0x1  }
0xb5: {  	[sflag:s29] =	ssyncadd.s32 $0xFFFFFFFF  }
0xb6: {  	_ =	strace $0x90000048  }
0xb7: {  	_ =	sfence  }
0xb8: {  	s30 =	sld [smem:$0x0];
	_ =	sdelay $0x2  }
0xb9: {  	s31 =	sshll.u32 s1, $0xD;
	s1 =	sshrl.u32 s1, $0x2  }
0xba: {  	s3 =	sand.u32 $0x4000, s31;
	s1 =	sadd.s32 s1, s30  }
0xbb: {  	s0 =	sor.u32 s3, s0;
	s1 =	sshll.u32 s1, $0x11  }
0xbc: {  	s0 =	sor.u32 s1, s0  }
0xbd: {  	s0 =	sadd.s32 $0x8F2B, s0  }
0xbe: {  	[sflag:s0] =	ssyncadd.remote.s32 $0x1  }
0xbf: {  	_ =	sfence.sel $0xFFFF  }
0xc0: {  	[dreg:$0x0] =	wrdreg $0xFFFFFFFF;
	(pc) =	sbr.abs _section_cstart, $3  }
0xc1: {  	[dreg:$0x1] =	wrdreg $0xFFFFFFFF  }
0xc2: {  	_ =	task.clear_ibuf [dreg:s7], $0x2FFFF;
	_ =	strace $0x9FFFFFFF  }
0xc3: {  	(tm) =	ssettm $0x7FFFFFFF  }
tec
execute0_lowered:
.L_overlay_start_1:
0x0: {  	(tag) =	ssettag $0x1  }
0x1: {  	s5 =	rddreg [dreg:$0x0]  }
0x2: {  	s2 =	rddreg [dreg:$0x1];
	s0 =	stileid.u32  }
0x3: {  	s1 =	srdreg.scid;
	s3 =	rddreg [dreg:$0x2];
	s4 =	simm.s32 $0x0  }
0x4: {  	s16 =	simm.s32 $0x80;
	s17 =	simm.s32 $0x100;
	s18 =	simm.s32 $0x4  }
0x5: {  	s19 =	simm.s32 $0x1;
	s20 =	simm.s32 $0x180;
	s21 =	simm.s32 $0x2  }
0x6: {  	s6 =	smul.u32 $0x14000, s0;
	s10 =	sand.u32 $0x1, s1;
	s1 =	rddreg [dreg:$0x3]  }
0x7: {  	[smem:$0x7FF] =	sst s4;
	s12 =	sadd.s32 $0x2400, s5;
	s9 =	smul.u32 $0x50000, s0  }
0x8: {  	s11 =	sshll.u32 s0, $0x1;
	s30 =	sshll.u32 s0, $0x6;
	s15 =	smul.u32 $0x1F40, s0  }
0x9: {  	s7 =	smul.u32 $0x140000, s10;
	_ =	strace $0x80000047;
	s23 =	ssub.s32 $0x2, s10  }
0xa: {  	s25 =	sor.u32 s10, s11;
	s31 =	smul.u32 $0xFA0, s10;
	s8 =	sshrl.u32 s6, $0x3  }
0xb: {  	s24 =	sshrl.u32 s23, $0x1;
	s28 =	sshrl.u32 s9, $0x2;
	s29 =	smul.u32 $0xFA0, s25  }
0xc: {  	s6 =	sadd.s32 s6, s7;
	s22 =	sadd.s32 s8, s5;
	s26 =	ssub.s32 s23, s24  }
0xd: {  	s14 =	sadd.s32 s28, s3;
	s23 =	simm.s32 $0x0;
	s6 =	sshrl.u32 s6, $0x3  }
.Ltmp0:
0xe: {  	s7 =	sadd.s32 s12, s29;
	s9 =	smax.u32 s26, $0x1;
	(pc) =	sbr.rel .LBB2_1-.Ltmp0, $4  }
0xf: {  	s12 =	sadd.s32 s15, s12;
	s15 =	simm.s32 $0x50;
	s13 =	sadd.s32 s6, s5  }
0x10: {  	s5 =	sadd.s32 $0x21800, s22;
	s6 =	sor.u32 $0x1C03, s30;
	s10 =	sadd.s32 $0x20, s7  }
0x11: {  	s11 =	sadd.s32 $0x40, s7;
	s12 =	sadd.s32 s31, s12;
	s22 =	simm.s32 $0x3  }
0x12: {  	s8 =	sadd.s32 $0x49800, s13;
	s13 =	sshrl.u32 s14, $0x3;
	s14 =	simm.s32 $0x200  }
.LBB2_6:
0x13: {  	_ =	swait.ge [sflag:s19], $0x2800  }
0x14: {  	s23 =	sadd.s32 $0x1, s23;
	[sflag:s19] =	ssyncset.done $0x0  }
0x15: {  	p0 =	sne.s32 s23, s9;
	[sflag:s19] =	ssyncadd.s32 $0xFFFFD800  }
.Ltmp1:
0x16: {  	[bflag:$0x0] =	sbarrier.arrive $0xFFFF;
	(pc) =	sbr.rel @!p0 .LBB2_7-.Ltmp1, $4  }
0x17: {  	[hbm:s8], [sflag:s6] =	dma.local [spmem:s13], $0x2800  }
0x18: {  	_ =	swait.ge [sflag:s22], $0x2800  }
0x19: {  	[sflag:s22] =	ssyncset.done $0x0  }
0x1a: {  	[sflag:s22] =	ssyncadd.s32 $0xFFFFD800  }
.LBB2_1:
0x1b: {  	[spmem:s13], [sflag:s6] =	dma.local [hbm:s5], $0x2800  }
0x1c: {  	_ =	swait.ge [sflag:s22], $0x2800  }
0x1d: {  	[sflag:s22] =	ssyncset.done $0x0  }
0x1e: {  	[sflag:s22] =	ssyncadd.s32 $0xFFFFD800  }
0x1f: {  	[tilespmem:s14], [sflag:$0x3] =	stream.linear.gather [hbm4b:s2+s4], $0x2800, $0x38;
	[tilespmem:$0x16A00] =	vst v63  }
0x20: {  	_ =	swait.ge [sflag:s22], $0x2800  }
0x21: {  	[sflag:s22] =	ssyncset.done $0x0  }
0x22: {  	[sflag:s22] =	ssyncadd.s32 $0xFFFFD800  }
0x23: {  	[bflag:$0x0] =	sbarrier.arrive $0xFFFF  }
0x24: {  	[tilespmem:s4], [sflag:$0x3] =	stream.linear.gather [hbm4b:s7+s4], $0x100, $0x38;
	[tilespmem:$0x16A00] =	vst v63  }
0x25: {  	_ =	swait.ge [sflag:s22], $0x100  }
0x26: {  	[sflag:s22] =	ssyncset.done $0x0  }
0x27: {  	[sflag:s22] =	ssyncadd.s32 $0xFFFFFF00  }
0x28: {  	[spmem:s3] =	stream.indirect.scatter.add.f32 [tilespmem:s14], [sflag:$0x1], $0x80, s16, s15, $0xb8;
	[tilespmem:$0x16A00] =	vst v63  }
0x29: {  	_ = 	snop  }
0x2a: {  	[tilespmem:s17], [sflag:$0x4] =	stream.linear.gather [hbm4b:s10+s4], $0x100, $0x38;
	[tilespmem:$0x16A00] =	vst v63  }
0x2b: {  	_ =	swait.ge [sflag:s18], $0x100  }
0x2c: {  	[sflag:s18] =	ssyncset.done $0x0  }
0x2d: {  	[sflag:s18] =	ssyncadd.s32 $0xFFFFFF00  }
0x2e: {  	_ =	swait.ge [sflag:s19], $0x2800  }
0x2f: {  	[sflag:s19] =	ssyncset.done $0x0  }
0x30: {  	[sflag:s19] =	ssyncadd.s32 $0xFFFFD800  }
0x31: {  	[spmem:s3] =	stream.indirect.scatter.add.f32 [tilespmem:s14], [sflag:$0x2], $0x80, s20, s15, $0xb8;
	[tilespmem:$0x16A00] =	vst v63  }
.Ltmp2:
0x32: {  	_ = 	snop;
	(pc) =	sbr.rel .LBB2_2-.Ltmp2, $4  }
0x33: {  	[tilespmem:s4], [sflag:$0x3] =	stream.linear.gather [hbm4b:s11+s4], $0x100, $0x38;
	[tilespmem:$0x16A00] =	vst v63  }
0x34: {  	_ =	swait.ge [sflag:s22], $0x100  }
0x35: {  	[sflag:s22] =	ssyncset.done $0x0  }
0x36: {  	s24 =	simm.s32 $0x3;
	s25 =	simm.s32 $0x0;
	[sflag:s22] =	ssyncadd.s32 $0xFFFFFF00  }
.LBB2_5:
0x37: {  	s25 =	sadd.s32 $0x40, s25  }
0x38: {  	p0 =	sne.s32 s25, $0xF80  }
.Ltmp3:
0x39: {  	_ = 	snop;
	(pc) =	sbr.rel @!p0 .LBB2_6-.Ltmp3, $2  }
0x3a: {  	_ =	sdelay $0x2  }
0x3b: {  	s24 =	sadd.s32 $0x2, s24  }
.LBB2_2:
0x3c: {  	p0 =	sgt.u32 s24, $0x7C  }
.Ltmp4:
0x3d: {  	_ = 	snop;
	(pc) =	sbr.rel @p0 .LBB2_5-.Ltmp4, $4  }
0x3e: {  	_ =	swait.ge [sflag:s21], $0x2800  }
0x3f: {  	[sflag:s21] =	ssyncset.done $0x0  }
0x40: {  	[sflag:s21] =	ssyncadd.s32 $0xFFFFD800  }
0x41: {  	[spmem:s3] =	stream.indirect.scatter.add.f32 [tilespmem:s14], [sflag:$0x1], $0x80, s16, s15, $0xb8;
	[tilespmem:$0x16A00] =	vst v63  }
0x42: {  	s26 =	sadd.s32 s25, s12  }
0x43: {  	s28 =	sadd.s32 $0x60, s26  }
0x44: {  	[tilespmem:s17], [sflag:$0x4] =	stream.linear.gather [hbm4b:s28+s4], $0x100, $0x38;
	[tilespmem:$0x16A00] =	vst v63  }
0x45: {  	_ =	swait.ge [sflag:s18], $0x100  }
0x46: {  	p0 =	seq.s32 s25, $0xF40;
	[sflag:s18] =	ssyncset.done $0x0  }
.Ltmp5:
0x47: {  	[sflag:s18] =	ssyncadd.s32 $0xFFFFFF00;
	(pc) =	sbr.rel @p0 .LBB2_6-.Ltmp5, $4  }
0x48: {  	_ =	swait.ge [sflag:s19], $0x2800  }
0x49: {  	[sflag:s19] =	ssyncset.done $0x0  }
0x4a: {  	[sflag:s19] =	ssyncadd.s32 $0xFFFFD800  }
0x4b: {  	[spmem:s3] =	stream.indirect.scatter.add.f32 [tilespmem:s14], [sflag:$0x2], $0x80, s20, s15, $0xb8;
	[tilespmem:$0x16A00] =	vst v63  }
.Ltmp6:
0x4c: {  	s26 =	sadd.s32 $0x80, s26;
	(pc) =	sbr.rel .LBB2_5-.Ltmp6, $4  }
0x4d: {  	[tilespmem:s4], [sflag:$0x3] =	stream.linear.gather [hbm4b:s26+s4], $0x100, $0x38;
	[tilespmem:$0x16A00] =	vst v63  }
0x4e: {  	_ =	swait.ge [sflag:s22], $0x100  }
0x4f: {  	[sflag:s22] =	ssyncset.done $0x0  }
0x50: {  	[sflag:s22] =	ssyncadd.s32 $0xFFFFFF00  }
.LBB2_7:
0x51: {  	_ =	sfence.sel $0x180000  }
0x52: {  	[bflag:$0x0] =	sbarrier.arrive $0xFFFF  }
0x53: {  	p0 =	sne.s32 s0, $0x0;
	_ =	strace $0x90000047  }
0x54: {  	s0 =	sadd.s32 @!p0 $0x100000, s1;
	[bflag:$0x2] =	sbarrier.arrive $0xFFFF  }
0x55: {  	[sflag:s0] =	ssyncadd.tile.s32 @!p0 $0x1;
	_ =	shalt  }
.Lfunc_end2:
_tile_overlayer_lowered:
.L_overlay_start_2:
0x56: {  	(tag) =	ssettag $0x2  }
0x57: {  	s0 =	rddreg [dreg:$0x0];
	s2 =	stileid.u32  }
0x58: {  	s1 =	rddreg [dreg:$0x1];
	p0 =	sne.s32 s2, $0x0  }
0x59: {  	s3 =	rddreg [dreg:$0x2];
	[bflag:$0x3] =	sbarrier.arrive $0xFFFF;
	s2 =	simm.s32 @!p0 $0x1C03  }
0x5a: {  	[timem:s3], [sflag:s2] =	dma.local @!p0 [hbm:s0], s1  }
0x5b: {  	s0 =	simm.s32 @!p0 $0x3  }
0x5c: {  	_ =	swait.ge @!p0 [sflag:s0], s1  }
0x5d: {  	s1 =	ssub.s32 @!p0 $0x0, s1;
	[sflag:s0] =	ssyncset.done @!p0 $0x0  }
0x5e: {  	[sflag:s0] =	ssyncadd.s32 @!p0 s1  }
0x5f: {  	[bflag:$0x3] =	sbarrier.arrive $0xFFFF  }
0x60: {  	_ =	shalt  }

</sc_bundles>
